<compile_context>
chip_gen: v7x
topology: tpu7x:2x2x1
jax: 0.10.2.dev20260603
libtpu: 0.0.44.dev20260713+nightly
codegen_flags: <defaults>
</compile_context>

<pallas_src>
import functools

import jax
import jax.numpy as jnp
from jax import lax
from jax.experimental import pallas as pl
from jax.experimental.pallas import tpu as pltpu
from jax.experimental.pallas import tpu_sc as plsc

N = 4096
C = 1024
E = 8
F = 4096
TS = F // E
CHUNK = 128
NW = N // CHUNK
BM = 256
NT = N // BM
NSLOT = NT + E - 1


def _gate_body(x_ref, wg_ref, bg_ref, gate_ref, rank_ref, cnt_ref):
    xb = x_ref[...]
    logits = jnp.dot(xb, wg_ref[...],
                     preferred_element_type=jnp.float32) + bg_ref[...]
    lane = lax.broadcasted_iota(jnp.int32, logits.shape, 1)
    mx = jnp.max(logits, axis=-1, keepdims=True)
    idx = jnp.min(jnp.where(logits == mx, lane, E), axis=-1,
                  keepdims=True)
    onehot = (lane == idx).astype(jnp.float32)
    gate_ref[...] = onehot
    ri = lax.broadcasted_iota(jnp.int32, (CHUNK, CHUNK), 0)
    ci = lax.broadcasted_iota(jnp.int32, (CHUNK, CHUNK), 1)
    tril = (ci <= ri).astype(jnp.float32)
    csum = jnp.dot(tril, onehot, preferred_element_type=jnp.float32)
    rank = jnp.sum(onehot * csum, axis=-1, keepdims=True) - 1.0
    rank_ref[...] = rank.astype(jnp.int32)
    cnt_ref[...] = csum[CHUNK - 1:CHUNK, :].reshape(1, 1, E)


def _gate_call(x_f, W_gate, b_gate):
    return pl.pallas_call(
        _gate_body,
        grid=(NW,),
        in_specs=[
            pl.BlockSpec((CHUNK, C), lambda i: (i, 0)),
            pl.BlockSpec((C, E), lambda i: (0, 0)),
            pl.BlockSpec((1, E), lambda i: (0, 0)),
        ],
        out_specs=[
            pl.BlockSpec((CHUNK, E), lambda i: (i, 0)),
            pl.BlockSpec((CHUNK, 1), lambda i: (i, 0)),
            pl.BlockSpec((1, 1, E), lambda i: (i, 0, 0)),
        ],
        out_shape=[
            jax.ShapeDtypeStruct((N, E), jnp.float32),
            jax.ShapeDtypeStruct((N, 1), jnp.int32),
            jax.ShapeDtypeStruct((NW, 1, E), jnp.float32),
        ],
    )(x_f, W_gate, b_gate.reshape(1, E))


def _pos_body(gate_ref, rank_ref, base_ref, pos_ref):
    base8 = base_ref[...].reshape(1, E)
    sel = jnp.sum(gate_ref[...] * base8, axis=-1, keepdims=True)
    pos = rank_ref[...].astype(jnp.float32) + sel
    pos_ref[...] = pos.astype(jnp.int32)


def _pos_call(gate, rank, base_f):
    return pl.pallas_call(
        _pos_body,
        grid=(NW,),
        in_specs=[
            pl.BlockSpec((CHUNK, E), lambda i: (i, 0)),
            pl.BlockSpec((CHUNK, 1), lambda i: (i, 0)),
            pl.BlockSpec((1, 1, E), lambda i: (i, 0, 0)),
        ],
        out_specs=pl.BlockSpec((CHUNK, 1), lambda i: (i, 0)),
        out_shape=jax.ShapeDtypeStruct((N, 1), jnp.int32),
    )(gate, rank, base_f)


def _route_body(pos_hbm, x_hbm, xs_hbm, pos_v, buf_a, buf_b, sem_a, sem_b):
    wid = lax.axis_index("s") * 2 + lax.axis_index("c")
    tok0 = wid * CHUNK
    pltpu.sync_copy(pos_hbm.at[wid], pos_v)
    bufs = (buf_a, buf_b)
    sems = (sem_a, sem_b)
    copies = []
    for j in range(CHUNK // 16):
        bf = bufs[j % 2]
        if j >= 2:
            copies[j - 2].wait()
        pltpu.sync_copy(x_hbm.at[pl.ds(tok0 + j * 16, 16)], bf)
        copies.append(pltpu.async_copy(bf, xs_hbm.at[pos_v.at[j]],
                                       sems[j % 2]))
    copies[-2].wait()
    copies[-1].wait()


def _route_call(pos, x_f):
    mesh = plsc.VectorSubcoreMesh(core_axis_name="c", subcore_axis_name="s")
    return pl.kernel(
        _route_body,
        out_type=jax.ShapeDtypeStruct((N, C), jnp.float32),
        mesh=mesh,
        scratch_types=[
            pltpu.VMEM((CHUNK // 16, 16), jnp.int32),
            pltpu.VMEM((16, C), jnp.float32),
            pltpu.VMEM((16, C), jnp.float32),
            pltpu.SemaphoreType.DMA,
            pltpu.SemaphoreType.DMA,
        ],
    )(pos, x_f)


def _gmm_body(meta_ref, xs_ref, wu_ref, bu_ref, wd_ref, bd_ref, out_ref):
    w = pl.program_id(0)
    t = meta_ref[0, w]
    lo = meta_ref[2, w]
    hi = meta_ref[3, w]
    first = meta_ref[4, w]

    @pl.when(hi > lo)
    def _():
        rows = t * BM + lax.broadcasted_iota(jnp.int32, (BM, 1), 0)
        mask = (rows >= lo) & (rows < hi)
        h = jnp.dot(xs_ref[...], wu_ref[...],
                    preferred_element_type=jnp.float32) + bu_ref[...]
        h = jnp.maximum(h, 0.0)
        contrib = jnp.dot(h, wd_ref[...], preferred_element_type=jnp.float32)
        contrib = jnp.where(mask, contrib, 0.0)

        @pl.when(first == 1)
        def _():
            out_ref[...] = contrib + bd_ref[...]

        @pl.when(first == 0)
        def _():
            out_ref[...] = out_ref[...] + contrib


def _gmm_call(meta, xs, W_up, b_up, W_down, b_down):
    grid_spec = pltpu.PrefetchScalarGridSpec(
        num_scalar_prefetch=1,
        grid=(NSLOT,),
        in_specs=[
            pl.BlockSpec((BM, C), lambda i, m: (m[0, i], 0)),
            pl.BlockSpec((C, TS), lambda i, m: (0, m[1, i])),
            pl.BlockSpec((1, TS), lambda i, m: (0, m[1, i])),
            pl.BlockSpec((TS, C), lambda i, m: (m[1, i], 0)),
            pl.BlockSpec((1, C), lambda i, m: (0, 0)),
        ],
        out_specs=pl.BlockSpec((BM, C), lambda i, m: (m[0, i], 0)),
    )
    return pl.pallas_call(
        _gmm_body,
        grid_spec=grid_spec,
        out_shape=jax.ShapeDtypeStruct((N, C), jnp.float32),
    )(meta, xs, W_up, b_up.reshape(1, F), W_down, b_down.reshape(1, C))


def _unsort_body(pos_hbm, outs_hbm, out_hbm, pos_v, buf_a, buf_b,
                 sem_a, sem_b):
    wid = lax.axis_index("s") * 2 + lax.axis_index("c")
    tok0 = wid * CHUNK
    pltpu.sync_copy(pos_hbm.at[wid], pos_v)
    bufs = (buf_a, buf_b)
    sems = (sem_a, sem_b)
    nj = CHUNK // 16
    d = [None] * nj
    d[0] = pltpu.async_copy(outs_hbm.at[pos_v.at[0]], bufs[0], sems[0])
    for j in range(nj):
        d[j].wait()
        if j + 1 < nj:
            d[j + 1] = pltpu.async_copy(outs_hbm.at[pos_v.at[j + 1]],
                                        bufs[(j + 1) % 2], sems[(j + 1) % 2])
        pltpu.sync_copy(bufs[j % 2], out_hbm.at[pl.ds(tok0 + j * 16, 16)])


def _unsort_call(pos, out_s):
    mesh = plsc.VectorSubcoreMesh(core_axis_name="c", subcore_axis_name="s")
    return pl.kernel(
        _unsort_body,
        out_type=jax.ShapeDtypeStruct((N, C), jnp.float32),
        mesh=mesh,
        scratch_types=[
            pltpu.VMEM((CHUNK // 16, 16), jnp.int32),
            pltpu.VMEM((16, C), jnp.float32),
            pltpu.VMEM((16, C), jnp.float32),
            pltpu.SemaphoreType.DMA,
            pltpu.SemaphoreType.DMA,
        ],
    )(pos, out_s)


def _routing_metadata(cnts):
    tot = jnp.sum(cnts, axis=0)
    expert_start = jnp.cumsum(tot) - tot
    expert_end = expert_start + tot
    chunk_excl = jnp.cumsum(cnts, axis=0) - cnts
    base = expert_start[None, :] + chunk_excl
    base_f = base.astype(jnp.float32).reshape(NW, 1, E)

    t0 = expert_start // BM
    t1 = (expert_end - 1) // BM
    n_e = jnp.where(tot > 0, t1 - t0 + 1, 0)
    cum = jnp.cumsum(n_e)
    ni = cum[E - 1]
    ofs = cum - n_e
    s = jnp.arange(NSLOT, dtype=jnp.int32)
    e_s = jnp.sum((s[:, None] >= cum[None, :]).astype(jnp.int32), axis=1)
    valid = s < ni
    e_c = jnp.clip(e_s, 0, E - 1)
    t_sv = t0[e_c] + (s - ofs[e_c])
    lo_sv = jnp.maximum(expert_start[e_c], t_sv * BM)
    hi_sv = jnp.minimum(expert_end[e_c], (t_sv + 1) * BM)
    t_last = jnp.take(t_sv, ni - 1)
    e_last = jnp.take(e_c, ni - 1)
    t_f = jnp.where(valid, t_sv, t_last)
    e_f = jnp.where(valid, e_c, e_last)
    lo_f = jnp.where(valid, lo_sv, 0)
    hi_f = jnp.where(valid, hi_sv, 0)
    prev_t = jnp.concatenate([jnp.full((1,), -1, jnp.int32), t_f[:-1]])
    first_f = (valid & (t_f != prev_t)).astype(jnp.int32)
    meta = jnp.stack([t_f, e_f, lo_f, hi_f, first_f]).astype(jnp.int32)
    return base_f, meta


def kernel(x, W_gate, b_gate, W_up, b_up, W_down, b_down):
    B, T, Cx = x.shape
    assert (B * T, Cx, W_gate.shape[1], W_up.shape[1]) == (N, C, E, F)
    x_f = x.reshape(N, C)

    gate, rank, cnts = _gate_call(x_f, W_gate, b_gate)
    cnts_i = cnts.reshape(NW, E).astype(jnp.int32)
    base_f, meta = _routing_metadata(cnts_i)

    pos = _pos_call(gate, rank, base_f).reshape(NW, CHUNK // 16, 16)
    xs = _route_call(pos, x_f)
    out_s = _gmm_call(meta, xs, W_up, b_up, W_down, b_down)
    out_f = _unsort_call(pos, out_s)
    return out_f.reshape(B, T, C), gate.reshape(B, T, E)

# --- scband reference (transcript-rebuilt; emitter-appended) ---
"""Pipeline reference for scband-gated-ffn-5342939316974 (READ-ONLY COPY).

The authoritative reference and input builder live on the scoring server;
editing this copy changes nothing except your own understanding.
"""

import jax, jax.numpy as jnp
import numpy as np

D_MODEL = 1024
NUM_TILES = 8
D_FF = D_MODEL * 4


def setup_inputs(seed: int = 0) -> dict:
    key = jax.random.key(seed)
    ks = jax.random.split(key, 8)
    x = jax.random.normal(ks[0], (2, 2048, D_MODEL), dtype=jnp.float32)
    W_gate = jax.random.normal(ks[1], (D_MODEL, NUM_TILES), dtype=jnp.float32) * 0.02
    b_gate = jnp.zeros((NUM_TILES,), dtype=jnp.float32)
    W_up = jax.random.normal(ks[2], (D_MODEL, D_FF), dtype=jnp.float32) * 0.02
    b_up = jnp.zeros((D_FF,), dtype=jnp.float32)
    W_down = jax.random.normal(ks[3], (D_FF, D_MODEL), dtype=jnp.float32) * 0.02
    b_down = jnp.zeros((D_MODEL,), dtype=jnp.float32)
    return {"x": x, "W_gate": W_gate, "b_gate": b_gate, "W_up": W_up, "b_up": b_up, "W_down": W_down, "b_down": b_down}


def _bitswitch_linear(x_flat, W, b, gate, num_tiles):
    # Dense projection whose output is partitioned into `num_tiles` tiles along
    # the feature dim; each tile is multiplicatively switched by the gate.
    out = x_flat @ W + b  # [N, d_out]
    N, d_out = out.shape
    ts = d_out // num_tiles
    out = out.reshape(N, num_tiles, ts) * gate[:, :, None]
    return out.reshape(N, d_out)


def reference(x, W_gate, b_gate, W_up, b_up, W_down, b_down):
    B, T, C = x.shape
    num_tiles = W_gate.shape[1]
    gate_logits = x @ W_gate + b_gate  # [B, T, num_tiles]  (eval mode: no noise)
    # Top1Gate: hard one-hot forward, straight-through identity backward
    idx = jnp.argmax(gate_logits, axis=-1)
    hard = jax.nn.one_hot(idx, num_tiles, dtype=gate_logits.dtype)
    gate = gate_logits + jax.lax.stop_gradient(hard - gate_logits)
    x_flat = x.reshape(B * T, C)
    gate_flat = gate.reshape(B * T, num_tiles)
    hidden = jax.nn.relu(_bitswitch_linear(x_flat, W_up, b_up, gate_flat, num_tiles))
    out = _bitswitch_linear(hidden, W_down, b_down, jnp.ones_like(gate_flat), num_tiles)
    return (out.reshape(B, T, C), gate)

if __name__ == "__main__":
    import jax
    _d = setup_inputs()
    print(jax.jit(kernel)(*tuple(_d.values())))

</pallas_src>

<mosaic_0001>
#map = affine_map<(d0, d1) -> (0, 0, 0)>
#map1 = affine_map<(d0, d1) -> (0, 0)>
module attributes {stable_mosaic.version = 14 : i64} {
  func.func @_unsort_body(%arg0: i32, %arg1: i32, %arg2: memref<32x8x16xi32, #tpu.memory_space<hbm>>, %arg3: memref<4096x1024xf32, #tpu.memory_space<hbm>>, %arg4: memref<4096x1024xf32, #tpu.memory_space<hbm>>, %arg5: memref<8x16xi32, #tpu.memory_space<vmem>>, %arg6: memref<16x1024xf32, #tpu.memory_space<vmem>>, %arg7: memref<16x1024xf32, #tpu.memory_space<vmem>>, %arg8: memref<!tpu.dma_semaphore, #tpu.memory_space<semaphore_mem>>, %arg9: memref<!tpu.dma_semaphore, #tpu.memory_space<semaphore_mem>>) attributes {dimension_semantics = [#tpu.dimension_semantics<core_parallel>, #tpu.dimension_semantics<subcore_parallel>], iteration_bounds = array<i64: 2, 16>, scalar_prefetch = 0 : i64, scratch_operands = 5 : i64, tpu.core_type = #tpu.core_type<sc_vector_subcore>, window_params = [{transform_indices = #map}, {transform_indices = #map1}, {transform_indices = #map1}]} {
    %mul3A = arith.constant 2 : i32
    %mul3A_0 = arith.muli %arg1, %mul3A : i32
    %add3A = arith.addi %mul3A_0, %arg0 : i32
    %mul3A_1 = arith.constant 128 : i32
    %mul3A_2 = arith.muli %add3A, %mul3A_1 : i32
    "tpu.region"() ({
      %run_scoped3A = tpu.sem_alloc : memref<!tpu.dma_semaphore, #tpu.memory_space<semaphore_mem>>
      %dma_start3A_129 = arith.constant 0 : i32
      %dma_start3A_130 = arith.constant 0 : i32
      %dma_start3A_131 = tpu.memref_slice %arg2[%add3A, %dma_start3A_129, %dma_start3A_130] : memref<32x8x16xi32, #tpu.memory_space<hbm>> -> memref<1x8x16xi32, #tpu.memory_space<hbm>>
      %dma_start3A_132 = tpu.memref_squeeze %dma_start3A_131 : memref<1x8x16xi32, #tpu.memory_space<hbm>> -> memref<8x16xi32, #tpu.memory_space<hbm>>
      %dma_start3A_133 = arith.constant 0 : i32
      %dma_start3A_134 = arith.constant 0 : i32
      %dma_start3A_135 = tpu.memref_slice %arg2[%add3A, %dma_start3A_133, %dma_start3A_134] : memref<32x8x16xi32, #tpu.memory_space<hbm>> -> memref<1x8x16xi32, #tpu.memory_space<hbm>>
      %dma_start3A_136 = tpu.memref_squeeze %dma_start3A_135 : memref<1x8x16xi32, #tpu.memory_space<hbm>> -> memref<8x16xi32, #tpu.memory_space<hbm>>
      tpu.enqueue_dma source(%dma_start3A_136 : memref<8x16xi32, #tpu.memory_space<hbm>>) target(%arg5 : memref<8x16xi32, #tpu.memory_space<vmem>>) target_semaphore(%run_scoped3A : memref<!tpu.dma_semaphore, #tpu.memory_space<semaphore_mem>>)
      %dma_wait3A_137 = arith.constant 0 : i32
      %dma_wait3A_138 = arith.constant 0 : i32
      %dma_wait3A_139 = tpu.memref_slice %arg2[%add3A, %dma_wait3A_137, %dma_wait3A_138] : memref<32x8x16xi32, #tpu.memory_space<hbm>> -> memref<1x8x16xi32, #tpu.memory_space<hbm>>
      %dma_wait3A_140 = tpu.memref_squeeze %dma_wait3A_139 : memref<1x8x16xi32, #tpu.memory_space<hbm>> -> memref<8x16xi32, #tpu.memory_space<hbm>>
      %dma_wait3A_141 = arith.constant 0 : i32
      %dma_wait3A_142 = arith.constant 0 : i32
      %dma_wait3A_143 = tpu.memref_slice %arg2[%add3A, %dma_wait3A_141, %dma_wait3A_142] : memref<32x8x16xi32, #tpu.memory_space<hbm>> -> memref<1x8x16xi32, #tpu.memory_space<hbm>>
      %dma_wait3A_144 = tpu.memref_squeeze %dma_wait3A_143 : memref<1x8x16xi32, #tpu.memory_space<hbm>> -> memref<8x16xi32, #tpu.memory_space<hbm>>
      tpu.wait_dma2 semaphore(%run_scoped3A : memref<!tpu.dma_semaphore, #tpu.memory_space<semaphore_mem>>) src(%dma_wait3A_144 : memref<8x16xi32, #tpu.memory_space<hbm>>) dst(%arg5 : memref<8x16xi32, #tpu.memory_space<vmem>>)
      tpu.yield
    }) : () -> ()
    %dma_start3A = arith.constant 0 : i32
    %dma_start3A_3 = arith.constant 0 : i32
    %dma_start3A_4 = tpu.memref_slice %arg5[%dma_start3A, %dma_start3A_3] : memref<8x16xi32, #tpu.memory_space<vmem>> -> memref<1x16xi32, #tpu.memory_space<vmem>>
    %dma_start3A_5 = tpu.memref_squeeze %dma_start3A_4 : memref<1x16xi32, #tpu.memory_space<vmem>> -> memref<16xi32, #tpu.memory_space<vmem>>
    %dma_start3A_6 = arith.constant 0 : i32
    %dma_start3A_7 = arith.constant 0 : i32
    %dma_start3A_8 = tpu.memref_slice %arg3[%dma_start3A_6, %dma_start3A_7] : memref<4096x1024xf32, #tpu.memory_space<hbm>> -> memref<4096x1024xf32, #tpu.memory_space<hbm>>
    tpu.enqueue_indirect_dma source(%dma_start3A_8 : memref<4096x1024xf32, #tpu.memory_space<hbm>>) target(%arg6 : memref<16x1024xf32, #tpu.memory_space<vmem>>) offsets(%dma_start3A_5 : memref<16xi32, #tpu.memory_space<vmem>>) semaphore(%arg8 : memref<!tpu.dma_semaphore, #tpu.memory_space<semaphore_mem>>)
    %dma_wait3A = arith.constant 0 : i32
    %dma_wait3A_9 = arith.constant 0 : i32
    %dma_wait3A_10 = tpu.memref_slice %arg5[%dma_wait3A, %dma_wait3A_9] : memref<8x16xi32, #tpu.memory_space<vmem>> -> memref<1x16xi32, #tpu.memory_space<vmem>>
    %dma_wait3A_11 = tpu.memref_squeeze %dma_wait3A_10 : memref<1x16xi32, #tpu.memory_space<vmem>> -> memref<16xi32, #tpu.memory_space<vmem>>
    %dma_wait3A_12 = arith.constant 0 : i32
    %dma_wait3A_13 = arith.constant 0 : i32
    %dma_wait3A_14 = tpu.memref_slice %arg3[%dma_wait3A_12, %dma_wait3A_13] : memref<4096x1024xf32, #tpu.memory_space<hbm>> -> memref<4096x1024xf32, #tpu.memory_space<hbm>>
    tpu.wait_indirect_dma semaphore(%arg8 : memref<!tpu.dma_semaphore, #tpu.memory_space<semaphore_mem>>) src(%dma_wait3A_14 : memref<4096x1024xf32, #tpu.memory_space<hbm>>) dst(%arg6 : memref<16x1024xf32, #tpu.memory_space<vmem>>)
    %dma_start3A_15 = arith.constant 1 : i32
    %dma_start3A_16 = arith.constant 0 : i32
    %dma_start3A_17 = tpu.memref_slice %arg5[%dma_start3A_15, %dma_start3A_16] : memref<8x16xi32, #tpu.memory_space<vmem>> -> memref<1x16xi32, #tpu.memory_space<vmem>>
    %dma_start3A_18 = tpu.memref_squeeze %dma_start3A_17 : memref<1x16xi32, #tpu.memory_space<vmem>> -> memref<16xi32, #tpu.memory_space<vmem>>
    %dma_start3A_19 = arith.constant 0 : i32
    %dma_start3A_20 = arith.constant 0 : i32
    %dma_start3A_21 = tpu.memref_slice %arg3[%dma_start3A_19, %dma_start3A_20] : memref<4096x1024xf32, #tpu.memory_space<hbm>> -> memref<4096x1024xf32, #tpu.memory_space<hbm>>
    tpu.enqueue_indirect_dma source(%dma_start3A_21 : memref<4096x1024xf32, #tpu.memory_space<hbm>>) target(%arg7 : memref<16x1024xf32, #tpu.memory_space<vmem>>) offsets(%dma_start3A_18 : memref<16xi32, #tpu.memory_space<vmem>>) semaphore(%arg9 : memref<!tpu.dma_semaphore, #tpu.memory_space<semaphore_mem>>)
    %add3A_22 = arith.constant 0 : i32
    %add3A_23 = arith.addi %mul3A_2, %add3A_22 : i32
    "tpu.region"() ({
      %run_scoped3A = tpu.sem_alloc : memref<!tpu.dma_semaphore, #tpu.memory_space<semaphore_mem>>
      %dma_start3A_129 = arith.constant 0 : i32
      %dma_start3A_130 = tpu.memref_slice %arg4[%add3A_23, %dma_start3A_129] : memref<4096x1024xf32, #tpu.memory_space<hbm>> -> memref<16x1024xf32, #tpu.memory_space<hbm>>
      %dma_start3A_131 = arith.constant 0 : i32
      %dma_start3A_132 = tpu.memref_slice %arg4[%add3A_23, %dma_start3A_131] : memref<4096x1024xf32, #tpu.memory_space<hbm>> -> memref<16x1024xf32, #tpu.memory_space<hbm>>
      tpu.enqueue_dma source(%arg6 : memref<16x1024xf32, #tpu.memory_space<vmem>>) target(%dma_start3A_132 : memref<16x1024xf32, #tpu.memory_space<hbm>>) target_semaphore(%run_scoped3A : memref<!tpu.dma_semaphore, #tpu.memory_space<semaphore_mem>>)
      %dma_wait3A_133 = arith.constant 0 : i32
      %dma_wait3A_134 = tpu.memref_slice %arg4[%add3A_23, %dma_wait3A_133] : memref<4096x1024xf32, #tpu.memory_space<hbm>> -> memref<16x1024xf32, #tpu.memory_space<hbm>>
      %dma_wait3A_135 = arith.constant 0 : i32
      %dma_wait3A_136 = tpu.memref_slice %arg4[%add3A_23, %dma_wait3A_135] : memref<4096x1024xf32, #tpu.memory_space<hbm>> -> memref<16x1024xf32, #tpu.memory_space<hbm>>
      tpu.wait_dma2 semaphore(%run_scoped3A : memref<!tpu.dma_semaphore, #tpu.memory_space<semaphore_mem>>) src(%arg6 : memref<16x1024xf32, #tpu.memory_space<vmem>>) dst(%dma_wait3A_136 : memref<16x1024xf32, #tpu.memory_space<hbm>>)
      tpu.yield
    }) : () -> ()
    %dma_wait3A_24 = arith.constant 1 : i32
    %dma_wait3A_25 = arith.constant 0 : i32
    %dma_wait3A_26 = tpu.memref_slice %arg5[%dma_wait3A_24, %dma_wait3A_25] : memref<8x16xi32, #tpu.memory_space<vmem>> -> memref<1x16xi32, #tpu.memory_space<vmem>>
    %dma_wait3A_27 = tpu.memref_squeeze %dma_wait3A_26 : memref<1x16xi32, #tpu.memory_space<vmem>> -> memref<16xi32, #tpu.memory_space<vmem>>
    %dma_wait3A_28 = arith.constant 0 : i32
    %dma_wait3A_29 = arith.constant 0 : i32
    %dma_wait3A_30 = tpu.memref_slice %arg3[%dma_wait3A_28, %dma_wait3A_29] : memref<4096x1024xf32, #tpu.memory_space<hbm>> -> memref<4096x1024xf32, #tpu.memory_space<hbm>>
    tpu.wait_indirect_dma semaphore(%arg9 : memref<!tpu.dma_semaphore, #tpu.memory_space<semaphore_mem>>) src(%dma_wait3A_30 : memref<4096x1024xf32, #tpu.memory_space<hbm>>) dst(%arg7 : memref<16x1024xf32, #tpu.memory_space<vmem>>)
    %dma_start3A_31 = arith.constant 2 : i32
    %dma_start3A_32 = arith.constant 0 : i32
    %dma_start3A_33 = tpu.memref_slice %arg5[%dma_start3A_31, %dma_start3A_32] : memref<8x16xi32, #tpu.memory_space<vmem>> -> memref<1x16xi32, #tpu.memory_space<vmem>>
    %dma_start3A_34 = tpu.memref_squeeze %dma_start3A_33 : memref<1x16xi32, #tpu.memory_space<vmem>> -> memref<16xi32, #tpu.memory_space<vmem>>
    %dma_start3A_35 = arith.constant 0 : i32
    %dma_start3A_36 = arith.constant 0 : i32
    %dma_start3A_37 = tpu.memref_slice %arg3[%dma_start3A_35, %dma_start3A_36] : memref<4096x1024xf32, #tpu.memory_space<hbm>> -> memref<4096x1024xf32, #tpu.memory_space<hbm>>
    tpu.enqueue_indirect_dma source(%dma_start3A_37 : memref<4096x1024xf32, #tpu.memory_space<hbm>>) target(%arg6 : memref<16x1024xf32, #tpu.memory_space<vmem>>) offsets(%dma_start3A_34 : memref<16xi32, #tpu.memory_space<vmem>>) semaphore(%arg8 : memref<!tpu.dma_semaphore, #tpu.memory_space<semaphore_mem>>)
    %add3A_38 = arith.constant 16 : i32
    %add3A_39 = arith.addi %mul3A_2, %add3A_38 : i32
    "tpu.region"() ({
      %run_scoped3A = tpu.sem_alloc : memref<!tpu.dma_semaphore, #tpu.memory_space<semaphore_mem>>
      %dma_start3A_129 = arith.constant 0 : i32
      %dma_start3A_130 = tpu.memref_slice %arg4[%add3A_39, %dma_start3A_129] : memref<4096x1024xf32, #tpu.memory_space<hbm>> -> memref<16x1024xf32, #tpu.memory_space<hbm>>
      %dma_start3A_131 = arith.constant 0 : i32
      %dma_start3A_132 = tpu.memref_slice %arg4[%add3A_39, %dma_start3A_131] : memref<4096x1024xf32, #tpu.memory_space<hbm>> -> memref<16x1024xf32, #tpu.memory_space<hbm>>
      tpu.enqueue_dma source(%arg7 : memref<16x1024xf32, #tpu.memory_space<vmem>>) target(%dma_start3A_132 : memref<16x1024xf32, #tpu.memory_space<hbm>>) target_semaphore(%run_scoped3A : memref<!tpu.dma_semaphore, #tpu.memory_space<semaphore_mem>>)
      %dma_wait3A_133 = arith.constant 0 : i32
      %dma_wait3A_134 = tpu.memref_slice %arg4[%add3A_39, %dma_wait3A_133] : memref<4096x1024xf32, #tpu.memory_space<hbm>> -> memref<16x1024xf32, #tpu.memory_space<hbm>>
      %dma_wait3A_135 = arith.constant 0 : i32
      %dma_wait3A_136 = tpu.memref_slice %arg4[%add3A_39, %dma_wait3A_135] : memref<4096x1024xf32, #tpu.memory_space<hbm>> -> memref<16x1024xf32, #tpu.memory_space<hbm>>
      tpu.wait_dma2 semaphore(%run_scoped3A : memref<!tpu.dma_semaphore, #tpu.memory_space<semaphore_mem>>) src(%arg7 : memref<16x1024xf32, #tpu.memory_space<vmem>>) dst(%dma_wait3A_136 : memref<16x1024xf32, #tpu.memory_space<hbm>>)
      tpu.yield
    }) : () -> ()
    %dma_wait3A_40 = arith.constant 2 : i32
    %dma_wait3A_41 = arith.constant 0 : i32
    %dma_wait3A_42 = tpu.memref_slice %arg5[%dma_wait3A_40, %dma_wait3A_41] : memref<8x16xi32, #tpu.memory_space<vmem>> -> memref<1x16xi32, #tpu.memory_space<vmem>>
    %dma_wait3A_43 = tpu.memref_squeeze %dma_wait3A_42 : memref<1x16xi32, #tpu.memory_space<vmem>> -> memref<16xi32, #tpu.memory_space<vmem>>
    %dma_wait3A_44 = arith.constant 0 : i32
    %dma_wait3A_45 = arith.constant 0 : i32
    %dma_wait3A_46 = tpu.memref_slice %arg3[%dma_wait3A_44, %dma_wait3A_45] : memref<4096x1024xf32, #tpu.memory_space<hbm>> -> memref<4096x1024xf32, #tpu.memory_space<hbm>>
    tpu.wait_indirect_dma semaphore(%arg8 : memref<!tpu.dma_semaphore, #tpu.memory_space<semaphore_mem>>) src(%dma_wait3A_46 : memref<4096x1024xf32, #tpu.memory_space<hbm>>) dst(%arg6 : memref<16x1024xf32, #tpu.memory_space<vmem>>)
    %dma_start3A_47 = arith.constant 3 : i32
    %dma_start3A_48 = arith.constant 0 : i32
    %dma_start3A_49 = tpu.memref_slice %arg5[%dma_start3A_47, %dma_start3A_48] : memref<8x16xi32, #tpu.memory_space<vmem>> -> memref<1x16xi32, #tpu.memory_space<vmem>>
    %dma_start3A_50 = tpu.memref_squeeze %dma_start3A_49 : memref<1x16xi32, #tpu.memory_space<vmem>> -> memref<16xi32, #tpu.memory_space<vmem>>
    %dma_start3A_51 = arith.constant 0 : i32
    %dma_start3A_52 = arith.constant 0 : i32
    %dma_start3A_53 = tpu.memref_slice %arg3[%dma_start3A_51, %dma_start3A_52] : memref<4096x1024xf32, #tpu.memory_space<hbm>> -> memref<4096x1024xf32, #tpu.memory_space<hbm>>
    tpu.enqueue_indirect_dma source(%dma_start3A_53 : memref<4096x1024xf32, #tpu.memory_space<hbm>>) target(%arg7 : memref<16x1024xf32, #tpu.memory_space<vmem>>) offsets(%dma_start3A_50 : memref<16xi32, #tpu.memory_space<vmem>>) semaphore(%arg9 : memref<!tpu.dma_semaphore, #tpu.memory_space<semaphore_mem>>)
    %add3A_54 = arith.constant 32 : i32
    %add3A_55 = arith.addi %mul3A_2, %add3A_54 : i32
    "tpu.region"() ({
      %run_scoped3A = tpu.sem_alloc : memref<!tpu.dma_semaphore, #tpu.memory_space<semaphore_mem>>
      %dma_start3A_129 = arith.constant 0 : i32
      %dma_start3A_130 = tpu.memref_slice %arg4[%add3A_55, %dma_start3A_129] : memref<4096x1024xf32, #tpu.memory_space<hbm>> -> memref<16x1024xf32, #tpu.memory_space<hbm>>
      %dma_start3A_131 = arith.constant 0 : i32
      %dma_start3A_132 = tpu.memref_slice %arg4[%add3A_55, %dma_start3A_131] : memref<4096x1024xf32, #tpu.memory_space<hbm>> -> memref<16x1024xf32, #tpu.memory_space<hbm>>
      tpu.enqueue_dma source(%arg6 : memref<16x1024xf32, #tpu.memory_space<vmem>>) target(%dma_start3A_132 : memref<16x1024xf32, #tpu.memory_space<hbm>>) target_semaphore(%run_scoped3A : memref<!tpu.dma_semaphore, #tpu.memory_space<semaphore_mem>>)
      %dma_wait3A_133 = arith.constant 0 : i32
      %dma_wait3A_134 = tpu.memref_slice %arg4[%add3A_55, %dma_wait3A_133] : memref<4096x1024xf32, #tpu.memory_space<hbm>> -> memref<16x1024xf32, #tpu.memory_space<hbm>>
      %dma_wait3A_135 = arith.constant 0 : i32
      %dma_wait3A_136 = tpu.memref_slice %arg4[%add3A_55, %dma_wait3A_135] : memref<4096x1024xf32, #tpu.memory_space<hbm>> -> memref<16x1024xf32, #tpu.memory_space<hbm>>
      tpu.wait_dma2 semaphore(%run_scoped3A : memref<!tpu.dma_semaphore, #tpu.memory_space<semaphore_mem>>) src(%arg6 : memref<16x1024xf32, #tpu.memory_space<vmem>>) dst(%dma_wait3A_136 : memref<16x1024xf32, #tpu.memory_space<hbm>>)
      tpu.yield
    }) : () -> ()
    %dma_wait3A_56 = arith.constant 3 : i32
    %dma_wait3A_57 = arith.constant 0 : i32
    %dma_wait3A_58 = tpu.memref_slice %arg5[%dma_wait3A_56, %dma_wait3A_57] : memref<8x16xi32, #tpu.memory_space<vmem>> -> memref<1x16xi32, #tpu.memory_space<vmem>>
    %dma_wait3A_59 = tpu.memref_squeeze %dma_wait3A_58 : memref<1x16xi32, #tpu.memory_space<vmem>> -> memref<16xi32, #tpu.memory_space<vmem>>
    %dma_wait3A_60 = arith.constant 0 : i32
    %dma_wait3A_61 = arith.constant 0 : i32
    %dma_wait3A_62 = tpu.memref_slice %arg3[%dma_wait3A_60, %dma_wait3A_61] : memref<4096x1024xf32, #tpu.memory_space<hbm>> -> memref<4096x1024xf32, #tpu.memory_space<hbm>>
    tpu.wait_indirect_dma semaphore(%arg9 : memref<!tpu.dma_semaphore, #tpu.memory_space<semaphore_mem>>) src(%dma_wait3A_62 : memref<4096x1024xf32, #tpu.memory_space<hbm>>) dst(%arg7 : memref<16x1024xf32, #tpu.memory_space<vmem>>)
    %dma_start3A_63 = arith.constant 4 : i32
    %dma_start3A_64 = arith.constant 0 : i32
    %dma_start3A_65 = tpu.memref_slice %arg5[%dma_start3A_63, %dma_start3A_64] : memref<8x16xi32, #tpu.memory_space<vmem>> -> memref<1x16xi32, #tpu.memory_space<vmem>>
    %dma_start3A_66 = tpu.memref_squeeze %dma_start3A_65 : memref<1x16xi32, #tpu.memory_space<vmem>> -> memref<16xi32, #tpu.memory_space<vmem>>
    %dma_start3A_67 = arith.constant 0 : i32
    %dma_start3A_68 = arith.constant 0 : i32
    %dma_start3A_69 = tpu.memref_slice %arg3[%dma_start3A_67, %dma_start3A_68] : memref<4096x1024xf32, #tpu.memory_space<hbm>> -> memref<4096x1024xf32, #tpu.memory_space<hbm>>
    tpu.enqueue_indirect_dma source(%dma_start3A_69 : memref<4096x1024xf32, #tpu.memory_space<hbm>>) target(%arg6 : memref<16x1024xf32, #tpu.memory_space<vmem>>) offsets(%dma_start3A_66 : memref<16xi32, #tpu.memory_space<vmem>>) semaphore(%arg8 : memref<!tpu.dma_semaphore, #tpu.memory_space<semaphore_mem>>)
    %add3A_70 = arith.constant 48 : i32
    %add3A_71 = arith.addi %mul3A_2, %add3A_70 : i32
    "tpu.region"() ({
      %run_scoped3A = tpu.sem_alloc : memref<!tpu.dma_semaphore, #tpu.memory_space<semaphore_mem>>
      %dma_start3A_129 = arith.constant 0 : i32
      %dma_start3A_130 = tpu.memref_slice %arg4[%add3A_71, %dma_start3A_129] : memref<4096x1024xf32, #tpu.memory_space<hbm>> -> memref<16x1024xf32, #tpu.memory_space<hbm>>
      %dma_start3A_131 = arith.constant 0 : i32
      %dma_start3A_132 = tpu.memref_slice %arg4[%add3A_71, %dma_start3A_131] : memref<4096x1024xf32, #tpu.memory_space<hbm>> -> memref<16x1024xf32, #tpu.memory_space<hbm>>
      tpu.enqueue_dma source(%arg7 : memref<16x1024xf32, #tpu.memory_space<vmem>>) target(%dma_start3A_132 : memref<16x1024xf32, #tpu.memory_space<hbm>>) target_semaphore(%run_scoped3A : memref<!tpu.dma_semaphore, #tpu.memory_space<semaphore_mem>>)
      %dma_wait3A_133 = arith.constant 0 : i32
      %dma_wait3A_134 = tpu.memref_slice %arg4[%add3A_71, %dma_wait3A_133] : memref<4096x1024xf32, #tpu.memory_space<hbm>> -> memref<16x1024xf32, #tpu.memory_space<hbm>>
      %dma_wait3A_135 = arith.constant 0 : i32
      %dma_wait3A_136 = tpu.memref_slice %arg4[%add3A_71, %dma_wait3A_135] : memref<4096x1024xf32, #tpu.memory_space<hbm>> -> memref<16x1024xf32, #tpu.memory_space<hbm>>
      tpu.wait_dma2 semaphore(%run_scoped3A : memref<!tpu.dma_semaphore, #tpu.memory_space<semaphore_mem>>) src(%arg7 : memref<16x1024xf32, #tpu.memory_space<vmem>>) dst(%dma_wait3A_136 : memref<16x1024xf32, #tpu.memory_space<hbm>>)
      tpu.yield
    }) : () -> ()
    %dma_wait3A_72 = arith.constant 4 : i32
    %dma_wait3A_73 = arith.constant 0 : i32
    %dma_wait3A_74 = tpu.memref_slice %arg5[%dma_wait3A_72, %dma_wait3A_73] : memref<8x16xi32, #tpu.memory_space<vmem>> -> memref<1x16xi32, #tpu.memory_space<vmem>>
    %dma_wait3A_75 = tpu.memref_squeeze %dma_wait3A_74 : memref<1x16xi32, #tpu.memory_space<vmem>> -> memref<16xi32, #tpu.memory_space<vmem>>
    %dma_wait3A_76 = arith.constant 0 : i32
    %dma_wait3A_77 = arith.constant 0 : i32
    %dma_wait3A_78 = tpu.memref_slice %arg3[%dma_wait3A_76, %dma_wait3A_77] : memref<4096x1024xf32, #tpu.memory_space<hbm>> -> memref<4096x1024xf32, #tpu.memory_space<hbm>>
    tpu.wait_indirect_dma semaphore(%arg8 : memref<!tpu.dma_semaphore, #tpu.memory_space<semaphore_mem>>) src(%dma_wait3A_78 : memref<4096x1024xf32, #tpu.memory_space<hbm>>) dst(%arg6 : memref<16x1024xf32, #tpu.memory_space<vmem>>)
    %dma_start3A_79 = arith.constant 5 : i32
    %dma_start3A_80 = arith.constant 0 : i32
    %dma_start3A_81 = tpu.memref_slice %arg5[%dma_start3A_79, %dma_start3A_80] : memref<8x16xi32, #tpu.memory_space<vmem>> -> memref<1x16xi32, #tpu.memory_space<vmem>>
    %dma_start3A_82 = tpu.memref_squeeze %dma_start3A_81 : memref<1x16xi32, #tpu.memory_space<vmem>> -> memref<16xi32, #tpu.memory_space<vmem>>
    %dma_start3A_83 = arith.constant 0 : i32
    %dma_start3A_84 = arith.constant 0 : i32
    %dma_start3A_85 = tpu.memref_slice %arg3[%dma_start3A_83, %dma_start3A_84] : memref<4096x1024xf32, #tpu.memory_space<hbm>> -> memref<4096x1024xf32, #tpu.memory_space<hbm>>
    tpu.enqueue_indirect_dma source(%dma_start3A_85 : memref<4096x1024xf32, #tpu.memory_space<hbm>>) target(%arg7 : memref<16x1024xf32, #tpu.memory_space<vmem>>) offsets(%dma_start3A_82 : memref<16xi32, #tpu.memory_space<vmem>>) semaphore(%arg9 : memref<!tpu.dma_semaphore, #tpu.memory_space<semaphore_mem>>)
    %add3A_86 = arith.constant 64 : i32
    %add3A_87 = arith.addi %mul3A_2, %add3A_86 : i32
    "tpu.region"() ({
      %run_scoped3A = tpu.sem_alloc : memref<!tpu.dma_semaphore, #tpu.memory_space<semaphore_mem>>
      %dma_start3A_129 = arith.constant 0 : i32
      %dma_start3A_130 = tpu.memref_slice %arg4[%add3A_87, %dma_start3A_129] : memref<4096x1024xf32, #tpu.memory_space<hbm>> -> memref<16x1024xf32, #tpu.memory_space<hbm>>
      %dma_start3A_131 = arith.constant 0 : i32
      %dma_start3A_132 = tpu.memref_slice %arg4[%add3A_87, %dma_start3A_131] : memref<4096x1024xf32, #tpu.memory_space<hbm>> -> memref<16x1024xf32, #tpu.memory_space<hbm>>
      tpu.enqueue_dma source(%arg6 : memref<16x1024xf32, #tpu.memory_space<vmem>>) target(%dma_start3A_132 : memref<16x1024xf32, #tpu.memory_space<hbm>>) target_semaphore(%run_scoped3A : memref<!tpu.dma_semaphore, #tpu.memory_space<semaphore_mem>>)
      %dma_wait3A_133 = arith.constant 0 : i32
      %dma_wait3A_134 = tpu.memref_slice %arg4[%add3A_87, %dma_wait3A_133] : memref<4096x1024xf32, #tpu.memory_space<hbm>> -> memref<16x1024xf32, #tpu.memory_space<hbm>>
      %dma_wait3A_135 = arith.constant 0 : i32
      %dma_wait3A_136 = tpu.memref_slice %arg4[%add3A_87, %dma_wait3A_135] : memref<4096x1024xf32, #tpu.memory_space<hbm>> -> memref<16x1024xf32, #tpu.memory_space<hbm>>
      tpu.wait_dma2 semaphore(%run_scoped3A : memref<!tpu.dma_semaphore, #tpu.memory_space<semaphore_mem>>) src(%arg6 : memref<16x1024xf32, #tpu.memory_space<vmem>>) dst(%dma_wait3A_136 : memref<16x1024xf32, #tpu.memory_space<hbm>>)
      tpu.yield
    }) : () -> ()
    %dma_wait3A_88 = arith.constant 5 : i32
    %dma_wait3A_89 = arith.constant 0 : i32
    %dma_wait3A_90 = tpu.memref_slice %arg5[%dma_wait3A_88, %dma_wait3A_89] : memref<8x16xi32, #tpu.memory_space<vmem>> -> memref<1x16xi32, #tpu.memory_space<vmem>>
    %dma_wait3A_91 = tpu.memref_squeeze %dma_wait3A_90 : memref<1x16xi32, #tpu.memory_space<vmem>> -> memref<16xi32, #tpu.memory_space<vmem>>
    %dma_wait3A_92 = arith.constant 0 : i32
    %dma_wait3A_93 = arith.constant 0 : i32
    %dma_wait3A_94 = tpu.memref_slice %arg3[%dma_wait3A_92, %dma_wait3A_93] : memref<4096x1024xf32, #tpu.memory_space<hbm>> -> memref<4096x1024xf32, #tpu.memory_space<hbm>>
    tpu.wait_indirect_dma semaphore(%arg9 : memref<!tpu.dma_semaphore, #tpu.memory_space<semaphore_mem>>) src(%dma_wait3A_94 : memref<4096x1024xf32, #tpu.memory_space<hbm>>) dst(%arg7 : memref<16x1024xf32, #tpu.memory_space<vmem>>)
    %dma_start3A_95 = arith.constant 6 : i32
    %dma_start3A_96 = arith.constant 0 : i32
    %dma_start3A_97 = tpu.memref_slice %arg5[%dma_start3A_95, %dma_start3A_96] : memref<8x16xi32, #tpu.memory_space<vmem>> -> memref<1x16xi32, #tpu.memory_space<vmem>>
    %dma_start3A_98 = tpu.memref_squeeze %dma_start3A_97 : memref<1x16xi32, #tpu.memory_space<vmem>> -> memref<16xi32, #tpu.memory_space<vmem>>
    %dma_start3A_99 = arith.constant 0 : i32
    %dma_start3A_100 = arith.constant 0 : i32
    %dma_start3A_101 = tpu.memref_slice %arg3[%dma_start3A_99, %dma_start3A_100] : memref<4096x1024xf32, #tpu.memory_space<hbm>> -> memref<4096x1024xf32, #tpu.memory_space<hbm>>
    tpu.enqueue_indirect_dma source(%dma_start3A_101 : memref<4096x1024xf32, #tpu.memory_space<hbm>>) target(%arg6 : memref<16x1024xf32, #tpu.memory_space<vmem>>) offsets(%dma_start3A_98 : memref<16xi32, #tpu.memory_space<vmem>>) semaphore(%arg8 : memref<!tpu.dma_semaphore, #tpu.memory_space<semaphore_mem>>)
    %add3A_102 = arith.constant 80 : i32
    %add3A_103 = arith.addi %mul3A_2, %add3A_102 : i32
    "tpu.region"() ({
      %run_scoped3A = tpu.sem_alloc : memref<!tpu.dma_semaphore, #tpu.memory_space<semaphore_mem>>
      %dma_start3A_129 = arith.constant 0 : i32
      %dma_start3A_130 = tpu.memref_slice %arg4[%add3A_103, %dma_start3A_129] : memref<4096x1024xf32, #tpu.memory_space<hbm>> -> memref<16x1024xf32, #tpu.memory_space<hbm>>
      %dma_start3A_131 = arith.constant 0 : i32
      %dma_start3A_132 = tpu.memref_slice %arg4[%add3A_103, %dma_start3A_131] : memref<4096x1024xf32, #tpu.memory_space<hbm>> -> memref<16x1024xf32, #tpu.memory_space<hbm>>
      tpu.enqueue_dma source(%arg7 : memref<16x1024xf32, #tpu.memory_space<vmem>>) target(%dma_start3A_132 : memref<16x1024xf32, #tpu.memory_space<hbm>>) target_semaphore(%run_scoped3A : memref<!tpu.dma_semaphore, #tpu.memory_space<semaphore_mem>>)
      %dma_wait3A_133 = arith.constant 0 : i32
      %dma_wait3A_134 = tpu.memref_slice %arg4[%add3A_103, %dma_wait3A_133] : memref<4096x1024xf32, #tpu.memory_space<hbm>> -> memref<16x1024xf32, #tpu.memory_space<hbm>>
      %dma_wait3A_135 = arith.constant 0 : i32
      %dma_wait3A_136 = tpu.memref_slice %arg4[%add3A_103, %dma_wait3A_135] : memref<4096x1024xf32, #tpu.memory_space<hbm>> -> memref<16x1024xf32, #tpu.memory_space<hbm>>
      tpu.wait_dma2 semaphore(%run_scoped3A : memref<!tpu.dma_semaphore, #tpu.memory_space<semaphore_mem>>) src(%arg7 : memref<16x1024xf32, #tpu.memory_space<vmem>>) dst(%dma_wait3A_136 : memref<16x1024xf32, #tpu.memory_space<hbm>>)
      tpu.yield
    }) : () -> ()
    %dma_wait3A_104 = arith.constant 6 : i32
    %dma_wait3A_105 = arith.constant 0 : i32
    %dma_wait3A_106 = tpu.memref_slice %arg5[%dma_wait3A_104, %dma_wait3A_105] : memref<8x16xi32, #tpu.memory_space<vmem>> -> memref<1x16xi32, #tpu.memory_space<vmem>>
    %dma_wait3A_107 = tpu.memref_squeeze %dma_wait3A_106 : memref<1x16xi32, #tpu.memory_space<vmem>> -> memref<16xi32, #tpu.memory_space<vmem>>
    %dma_wait3A_108 = arith.constant 0 : i32
    %dma_wait3A_109 = arith.constant 0 : i32
    %dma_wait3A_110 = tpu.memref_slice %arg3[%dma_wait3A_108, %dma_wait3A_109] : memref<4096x1024xf32, #tpu.memory_space<hbm>> -> memref<4096x1024xf32, #tpu.memory_space<hbm>>
    tpu.wait_indirect_dma semaphore(%arg8 : memref<!tpu.dma_semaphore, #tpu.memory_space<semaphore_mem>>) src(%dma_wait3A_110 : memref<4096x1024xf32, #tpu.memory_space<hbm>>) dst(%arg6 : memref<16x1024xf32, #tpu.memory_space<vmem>>)
    %dma_start3A_111 = arith.constant 7 : i32
    %dma_start3A_112 = arith.constant 0 : i32
    %dma_start3A_113 = tpu.memref_slice %arg5[%dma_start3A_111, %dma_start3A_112] : memref<8x16xi32, #tpu.memory_space<vmem>> -> memref<1x16xi32, #tpu.memory_space<vmem>>
    %dma_start3A_114 = tpu.memref_squeeze %dma_start3A_113 : memref<1x16xi32, #tpu.memory_space<vmem>> -> memref<16xi32, #tpu.memory_space<vmem>>
    %dma_start3A_115 = arith.constant 0 : i32
    %dma_start3A_116 = arith.constant 0 : i32
    %dma_start3A_117 = tpu.memref_slice %arg3[%dma_start3A_115, %dma_start3A_116] : memref<4096x1024xf32, #tpu.memory_space<hbm>> -> memref<4096x1024xf32, #tpu.memory_space<hbm>>
    tpu.enqueue_indirect_dma source(%dma_start3A_117 : memref<4096x1024xf32, #tpu.memory_space<hbm>>) target(%arg7 : memref<16x1024xf32, #tpu.memory_space<vmem>>) offsets(%dma_start3A_114 : memref<16xi32, #tpu.memory_space<vmem>>) semaphore(%arg9 : memref<!tpu.dma_semaphore, #tpu.memory_space<semaphore_mem>>)
    %add3A_118 = arith.constant 96 : i32
    %add3A_119 = arith.addi %mul3A_2, %add3A_118 : i32
    "tpu.region"() ({
      %run_scoped3A = tpu.sem_alloc : memref<!tpu.dma_semaphore, #tpu.memory_space<semaphore_mem>>
      %dma_start3A_129 = arith.constant 0 : i32
      %dma_start3A_130 = tpu.memref_slice %arg4[%add3A_119, %dma_start3A_129] : memref<4096x1024xf32, #tpu.memory_space<hbm>> -> memref<16x1024xf32, #tpu.memory_space<hbm>>
      %dma_start3A_131 = arith.constant 0 : i32
      %dma_start3A_132 = tpu.memref_slice %arg4[%add3A_119, %dma_start3A_131] : memref<4096x1024xf32, #tpu.memory_space<hbm>> -> memref<16x1024xf32, #tpu.memory_space<hbm>>
      tpu.enqueue_dma source(%arg6 : memref<16x1024xf32, #tpu.memory_space<vmem>>) target(%dma_start3A_132 : memref<16x1024xf32, #tpu.memory_space<hbm>>) target_semaphore(%run_scoped3A : memref<!tpu.dma_semaphore, #tpu.memory_space<semaphore_mem>>)
      %dma_wait3A_133 = arith.constant 0 : i32
      %dma_wait3A_134 = tpu.memref_slice %arg4[%add3A_119, %dma_wait3A_133] : memref<4096x1024xf32, #tpu.memory_space<hbm>> -> memref<16x1024xf32, #tpu.memory_space<hbm>>
      %dma_wait3A_135 = arith.constant 0 : i32
      %dma_wait3A_136 = tpu.memref_slice %arg4[%add3A_119, %dma_wait3A_135] : memref<4096x1024xf32, #tpu.memory_space<hbm>> -> memref<16x1024xf32, #tpu.memory_space<hbm>>
      tpu.wait_dma2 semaphore(%run_scoped3A : memref<!tpu.dma_semaphore, #tpu.memory_space<semaphore_mem>>) src(%arg6 : memref<16x1024xf32, #tpu.memory_space<vmem>>) dst(%dma_wait3A_136 : memref<16x1024xf32, #tpu.memory_space<hbm>>)
      tpu.yield
    }) : () -> ()
    %dma_wait3A_120 = arith.constant 7 : i32
    %dma_wait3A_121 = arith.constant 0 : i32
    %dma_wait3A_122 = tpu.memref_slice %arg5[%dma_wait3A_120, %dma_wait3A_121] : memref<8x16xi32, #tpu.memory_space<vmem>> -> memref<1x16xi32, #tpu.memory_space<vmem>>
    %dma_wait3A_123 = tpu.memref_squeeze %dma_wait3A_122 : memref<1x16xi32, #tpu.memory_space<vmem>> -> memref<16xi32, #tpu.memory_space<vmem>>
    %dma_wait3A_124 = arith.constant 0 : i32
    %dma_wait3A_125 = arith.constant 0 : i32
    %dma_wait3A_126 = tpu.memref_slice %arg3[%dma_wait3A_124, %dma_wait3A_125] : memref<4096x1024xf32, #tpu.memory_space<hbm>> -> memref<4096x1024xf32, #tpu.memory_space<hbm>>
    tpu.wait_indirect_dma semaphore(%arg9 : memref<!tpu.dma_semaphore, #tpu.memory_space<semaphore_mem>>) src(%dma_wait3A_126 : memref<4096x1024xf32, #tpu.memory_space<hbm>>) dst(%arg7 : memref<16x1024xf32, #tpu.memory_space<vmem>>)
    %add3A_127 = arith.constant 112 : i32
    %add3A_128 = arith.addi %mul3A_2, %add3A_127 : i32
    "tpu.region"() ({
      %run_scoped3A = tpu.sem_alloc : memref<!tpu.dma_semaphore, #tpu.memory_space<semaphore_mem>>
      %dma_start3A_129 = arith.constant 0 : i32
      %dma_start3A_130 = tpu.memref_slice %arg4[%add3A_128, %dma_start3A_129] : memref<4096x1024xf32, #tpu.memory_space<hbm>> -> memref<16x1024xf32, #tpu.memory_space<hbm>>
      %dma_start3A_131 = arith.constant 0 : i32
      %dma_start3A_132 = tpu.memref_slice %arg4[%add3A_128, %dma_start3A_131] : memref<4096x1024xf32, #tpu.memory_space<hbm>> -> memref<16x1024xf32, #tpu.memory_space<hbm>>
      tpu.enqueue_dma source(%arg7 : memref<16x1024xf32, #tpu.memory_space<vmem>>) target(%dma_start3A_132 : memref<16x1024xf32, #tpu.memory_space<hbm>>) target_semaphore(%run_scoped3A : memref<!tpu.dma_semaphore, #tpu.memory_space<semaphore_mem>>)
      %dma_wait3A_133 = arith.constant 0 : i32
      %dma_wait3A_134 = tpu.memref_slice %arg4[%add3A_128, %dma_wait3A_133] : memref<4096x1024xf32, #tpu.memory_space<hbm>> -> memref<16x1024xf32, #tpu.memory_space<hbm>>
      %dma_wait3A_135 = arith.constant 0 : i32
      %dma_wait3A_136 = tpu.memref_slice %arg4[%add3A_128, %dma_wait3A_135] : memref<4096x1024xf32, #tpu.memory_space<hbm>> -> memref<16x1024xf32, #tpu.memory_space<hbm>>
      tpu.wait_dma2 semaphore(%run_scoped3A : memref<!tpu.dma_semaphore, #tpu.memory_space<semaphore_mem>>) src(%arg7 : memref<16x1024xf32, #tpu.memory_space<vmem>>) dst(%dma_wait3A_136 : memref<16x1024xf32, #tpu.memory_space<hbm>>)
      tpu.yield
    }) : () -> ()
    return
  }
}

#map = affine_map<(d0, d1) -> (0, 0, 0)>
#map1 = affine_map<(d0, d1) -> (0, 0)>
module attributes {stable_mosaic.version = 14 : i64} {
  func.func @_route_body(%arg0: i32, %arg1: i32, %arg2: memref<32x8x16xi32, #tpu.memory_space<hbm>>, %arg3: memref<4096x1024xf32, #tpu.memory_space<hbm>>, %arg4: memref<4096x1024xf32, #tpu.memory_space<hbm>>, %arg5: memref<8x16xi32, #tpu.memory_space<vmem>>, %arg6: memref<16x1024xf32, #tpu.memory_space<vmem>>, %arg7: memref<16x1024xf32, #tpu.memory_space<vmem>>, %arg8: memref<!tpu.dma_semaphore, #tpu.memory_space<semaphore_mem>>, %arg9: memref<!tpu.dma_semaphore, #tpu.memory_space<semaphore_mem>>) attributes {dimension_semantics = [#tpu.dimension_semantics<core_parallel>, #tpu.dimension_semantics<subcore_parallel>], iteration_bounds = array<i64: 2, 16>, scalar_prefetch = 0 : i64, scratch_operands = 5 : i64, tpu.core_type = #tpu.core_type<sc_vector_subcore>, window_params = [{transform_indices = #map}, {transform_indices = #map1}, {transform_indices = #map1}]} {
    %mul3A = arith.constant 2 : i32
    %mul3A_0 = arith.muli %arg1, %mul3A : i32
    %add3A = arith.addi %mul3A_0, %arg0 : i32
    %mul3A_1 = arith.constant 128 : i32
    %mul3A_2 = arith.muli %add3A, %mul3A_1 : i32
    "tpu.region"() ({
      %run_scoped3A = tpu.sem_alloc : memref<!tpu.dma_semaphore, #tpu.memory_space<semaphore_mem>>
      %dma_start3A_129 = arith.constant 0 : i32
      %dma_start3A_130 = arith.constant 0 : i32
      %dma_start3A_131 = tpu.memref_slice %arg2[%add3A, %dma_start3A_129, %dma_start3A_130] : memref<32x8x16xi32, #tpu.memory_space<hbm>> -> memref<1x8x16xi32, #tpu.memory_space<hbm>>
      %dma_start3A_132 = tpu.memref_squeeze %dma_start3A_131 : memref<1x8x16xi32, #tpu.memory_space<hbm>> -> memref<8x16xi32, #tpu.memory_space<hbm>>
      %dma_start3A_133 = arith.constant 0 : i32
      %dma_start3A_134 = arith.constant 0 : i32
      %dma_start3A_135 = tpu.memref_slice %arg2[%add3A, %dma_start3A_133, %dma_start3A_134] : memref<32x8x16xi32, #tpu.memory_space<hbm>> -> memref<1x8x16xi32, #tpu.memory_space<hbm>>
      %dma_start3A_136 = tpu.memref_squeeze %dma_start3A_135 : memref<1x8x16xi32, #tpu.memory_space<hbm>> -> memref<8x16xi32, #tpu.memory_space<hbm>>
      tpu.enqueue_dma source(%dma_start3A_136 : memref<8x16xi32, #tpu.memory_space<hbm>>) target(%arg5 : memref<8x16xi32, #tpu.memory_space<vmem>>) target_semaphore(%run_scoped3A : memref<!tpu.dma_semaphore, #tpu.memory_space<semaphore_mem>>)
      %dma_wait3A_137 = arith.constant 0 : i32
      %dma_wait3A_138 = arith.constant 0 : i32
      %dma_wait3A_139 = tpu.memref_slice %arg2[%add3A, %dma_wait3A_137, %dma_wait3A_138] : memref<32x8x16xi32, #tpu.memory_space<hbm>> -> memref<1x8x16xi32, #tpu.memory_space<hbm>>
      %dma_wait3A_140 = tpu.memref_squeeze %dma_wait3A_139 : memref<1x8x16xi32, #tpu.memory_space<hbm>> -> memref<8x16xi32, #tpu.memory_space<hbm>>
      %dma_wait3A_141 = arith.constant 0 : i32
      %dma_wait3A_142 = arith.constant 0 : i32
      %dma_wait3A_143 = tpu.memref_slice %arg2[%add3A, %dma_wait3A_141, %dma_wait3A_142] : memref<32x8x16xi32, #tpu.memory_space<hbm>> -> memref<1x8x16xi32, #tpu.memory_space<hbm>>
      %dma_wait3A_144 = tpu.memref_squeeze %dma_wait3A_143 : memref<1x8x16xi32, #tpu.memory_space<hbm>> -> memref<8x16xi32, #tpu.memory_space<hbm>>
      tpu.wait_dma2 semaphore(%run_scoped3A : memref<!tpu.dma_semaphore, #tpu.memory_space<semaphore_mem>>) src(%dma_wait3A_144 : memref<8x16xi32, #tpu.memory_space<hbm>>) dst(%arg5 : memref<8x16xi32, #tpu.memory_space<vmem>>)
      tpu.yield
    }) : () -> ()
    %add3A_3 = arith.constant 0 : i32
    %add3A_4 = arith.addi %mul3A_2, %add3A_3 : i32
    "tpu.region"() ({
      %run_scoped3A = tpu.sem_alloc : memref<!tpu.dma_semaphore, #tpu.memory_space<semaphore_mem>>
      %dma_start3A_129 = arith.constant 0 : i32
      %dma_start3A_130 = tpu.memref_slice %arg3[%add3A_4, %dma_start3A_129] : memref<4096x1024xf32, #tpu.memory_space<hbm>> -> memref<16x1024xf32, #tpu.memory_space<hbm>>
      %dma_start3A_131 = arith.constant 0 : i32
      %dma_start3A_132 = tpu.memref_slice %arg3[%add3A_4, %dma_start3A_131] : memref<4096x1024xf32, #tpu.memory_space<hbm>> -> memref<16x1024xf32, #tpu.memory_space<hbm>>
      tpu.enqueue_dma source(%dma_start3A_132 : memref<16x1024xf32, #tpu.memory_space<hbm>>) target(%arg6 : memref<16x1024xf32, #tpu.memory_space<vmem>>) target_semaphore(%run_scoped3A : memref<!tpu.dma_semaphore, #tpu.memory_space<semaphore_mem>>)
      %dma_wait3A_133 = arith.constant 0 : i32
      %dma_wait3A_134 = tpu.memref_slice %arg3[%add3A_4, %dma_wait3A_133] : memref<4096x1024xf32, #tpu.memory_space<hbm>> -> memref<16x1024xf32, #tpu.memory_space<hbm>>
      %dma_wait3A_135 = arith.constant 0 : i32
      %dma_wait3A_136 = tpu.memref_slice %arg3[%add3A_4, %dma_wait3A_135] : memref<4096x1024xf32, #tpu.memory_space<hbm>> -> memref<16x1024xf32, #tpu.memory_space<hbm>>
      tpu.wait_dma2 semaphore(%run_scoped3A : memref<!tpu.dma_semaphore, #tpu.memory_space<semaphore_mem>>) src(%dma_wait3A_136 : memref<16x1024xf32, #tpu.memory_space<hbm>>) dst(%arg6 : memref<16x1024xf32, #tpu.memory_space<vmem>>)
      tpu.yield
    }) : () -> ()
    %dma_start3A = arith.constant 0 : i32
    %dma_start3A_5 = arith.constant 0 : i32
    %dma_start3A_6 = tpu.memref_slice %arg5[%dma_start3A, %dma_start3A_5] : memref<8x16xi32, #tpu.memory_space<vmem>> -> memref<1x16xi32, #tpu.memory_space<vmem>>
    %dma_start3A_7 = tpu.memref_squeeze %dma_start3A_6 : memref<1x16xi32, #tpu.memory_space<vmem>> -> memref<16xi32, #tpu.memory_space<vmem>>
    %dma_start3A_8 = arith.constant 0 : i32
    %dma_start3A_9 = arith.constant 0 : i32
    %dma_start3A_10 = tpu.memref_slice %arg4[%dma_start3A_8, %dma_start3A_9] : memref<4096x1024xf32, #tpu.memory_space<hbm>> -> memref<4096x1024xf32, #tpu.memory_space<hbm>>
    tpu.enqueue_indirect_dma source(%arg6 : memref<16x1024xf32, #tpu.memory_space<vmem>>) target(%dma_start3A_10 : memref<4096x1024xf32, #tpu.memory_space<hbm>>) offsets(%dma_start3A_7 : memref<16xi32, #tpu.memory_space<vmem>>) semaphore(%arg8 : memref<!tpu.dma_semaphore, #tpu.memory_space<semaphore_mem>>)
    %add3A_11 = arith.constant 16 : i32
    %add3A_12 = arith.addi %mul3A_2, %add3A_11 : i32
    "tpu.region"() ({
      %run_scoped3A = tpu.sem_alloc : memref<!tpu.dma_semaphore, #tpu.memory_space<semaphore_mem>>
      %dma_start3A_129 = arith.constant 0 : i32
      %dma_start3A_130 = tpu.memref_slice %arg3[%add3A_12, %dma_start3A_129] : memref<4096x1024xf32, #tpu.memory_space<hbm>> -> memref<16x1024xf32, #tpu.memory_space<hbm>>
      %dma_start3A_131 = arith.constant 0 : i32
      %dma_start3A_132 = tpu.memref_slice %arg3[%add3A_12, %dma_start3A_131] : memref<4096x1024xf32, #tpu.memory_space<hbm>> -> memref<16x1024xf32, #tpu.memory_space<hbm>>
      tpu.enqueue_dma source(%dma_start3A_132 : memref<16x1024xf32, #tpu.memory_space<hbm>>) target(%arg7 : memref<16x1024xf32, #tpu.memory_space<vmem>>) target_semaphore(%run_scoped3A : memref<!tpu.dma_semaphore, #tpu.memory_space<semaphore_mem>>)
      %dma_wait3A_133 = arith.constant 0 : i32
      %dma_wait3A_134 = tpu.memref_slice %arg3[%add3A_12, %dma_wait3A_133] : memref<4096x1024xf32, #tpu.memory_space<hbm>> -> memref<16x1024xf32, #tpu.memory_space<hbm>>
      %dma_wait3A_135 = arith.constant 0 : i32
      %dma_wait3A_136 = tpu.memref_slice %arg3[%add3A_12, %dma_wait3A_135] : memref<4096x1024xf32, #tpu.memory_space<hbm>> -> memref<16x1024xf32, #tpu.memory_space<hbm>>
      tpu.wait_dma2 semaphore(%run_scoped3A : memref<!tpu.dma_semaphore, #tpu.memory_space<semaphore_mem>>) src(%dma_wait3A_136 : memref<16x1024xf32, #tpu.memory_space<hbm>>) dst(%arg7 : memref<16x1024xf32, #tpu.memory_space<vmem>>)
      tpu.yield
    }) : () -> ()
    %dma_start3A_13 = arith.constant 1 : i32
    %dma_start3A_14 = arith.constant 0 : i32
    %dma_start3A_15 = tpu.memref_slice %arg5[%dma_start3A_13, %dma_start3A_14] : memref<8x16xi32, #tpu.memory_space<vmem>> -> memref<1x16xi32, #tpu.memory_space<vmem>>
    %dma_start3A_16 = tpu.memref_squeeze %dma_start3A_15 : memref<1x16xi32, #tpu.memory_space<vmem>> -> memref<16xi32, #tpu.memory_space<vmem>>
    %dma_start3A_17 = arith.constant 0 : i32
    %dma_start3A_18 = arith.constant 0 : i32
    %dma_start3A_19 = tpu.memref_slice %arg4[%dma_start3A_17, %dma_start3A_18] : memref<4096x1024xf32, #tpu.memory_space<hbm>> -> memref<4096x1024xf32, #tpu.memory_space<hbm>>
    tpu.enqueue_indirect_dma source(%arg7 : memref<16x1024xf32, #tpu.memory_space<vmem>>) target(%dma_start3A_19 : memref<4096x1024xf32, #tpu.memory_space<hbm>>) offsets(%dma_start3A_16 : memref<16xi32, #tpu.memory_space<vmem>>) semaphore(%arg9 : memref<!tpu.dma_semaphore, #tpu.memory_space<semaphore_mem>>)
    %dma_wait3A = arith.constant 0 : i32
    %dma_wait3A_20 = arith.constant 0 : i32
    %dma_wait3A_21 = tpu.memref_slice %arg5[%dma_wait3A, %dma_wait3A_20] : memref<8x16xi32, #tpu.memory_space<vmem>> -> memref<1x16xi32, #tpu.memory_space<vmem>>
    %dma_wait3A_22 = tpu.memref_squeeze %dma_wait3A_21 : memref<1x16xi32, #tpu.memory_space<vmem>> -> memref<16xi32, #tpu.memory_space<vmem>>
    %dma_wait3A_23 = arith.constant 0 : i32
    %dma_wait3A_24 = arith.constant 0 : i32
    %dma_wait3A_25 = tpu.memref_slice %arg4[%dma_wait3A_23, %dma_wait3A_24] : memref<4096x1024xf32, #tpu.memory_space<hbm>> -> memref<4096x1024xf32, #tpu.memory_space<hbm>>
    tpu.wait_indirect_dma semaphore(%arg8 : memref<!tpu.dma_semaphore, #tpu.memory_space<semaphore_mem>>) src(%arg6 : memref<16x1024xf32, #tpu.memory_space<vmem>>) dst(%dma_wait3A_25 : memref<4096x1024xf32, #tpu.memory_space<hbm>>)
    %add3A_26 = arith.constant 32 : i32
    %add3A_27 = arith.addi %mul3A_2, %add3A_26 : i32
    "tpu.region"() ({
      %run_scoped3A = tpu.sem_alloc : memref<!tpu.dma_semaphore, #tpu.memory_space<semaphore_mem>>
      %dma_start3A_129 = arith.constant 0 : i32
      %dma_start3A_130 = tpu.memref_slice %arg3[%add3A_27, %dma_start3A_129] : memref<4096x1024xf32, #tpu.memory_space<hbm>> -> memref<16x1024xf32, #tpu.memory_space<hbm>>
      %dma_start3A_131 = arith.constant 0 : i32
      %dma_start3A_132 = tpu.memref_slice %arg3[%add3A_27, %dma_start3A_131] : memref<4096x1024xf32, #tpu.memory_space<hbm>> -> memref<16x1024xf32, #tpu.memory_space<hbm>>
      tpu.enqueue_dma source(%dma_start3A_132 : memref<16x1024xf32, #tpu.memory_space<hbm>>) target(%arg6 : memref<16x1024xf32, #tpu.memory_space<vmem>>) target_semaphore(%run_scoped3A : memref<!tpu.dma_semaphore, #tpu.memory_space<semaphore_mem>>)
      %dma_wait3A_133 = arith.constant 0 : i32
      %dma_wait3A_134 = tpu.memref_slice %arg3[%add3A_27, %dma_wait3A_133] : memref<4096x1024xf32, #tpu.memory_space<hbm>> -> memref<16x1024xf32, #tpu.memory_space<hbm>>
      %dma_wait3A_135 = arith.constant 0 : i32
      %dma_wait3A_136 = tpu.memref_slice %arg3[%add3A_27, %dma_wait3A_135] : memref<4096x1024xf32, #tpu.memory_space<hbm>> -> memref<16x1024xf32, #tpu.memory_space<hbm>>
      tpu.wait_dma2 semaphore(%run_scoped3A : memref<!tpu.dma_semaphore, #tpu.memory_space<semaphore_mem>>) src(%dma_wait3A_136 : memref<16x1024xf32, #tpu.memory_space<hbm>>) dst(%arg6 : memref<16x1024xf32, #tpu.memory_space<vmem>>)
      tpu.yield
    }) : () -> ()
    %dma_start3A_28 = arith.constant 2 : i32
    %dma_start3A_29 = arith.constant 0 : i32
    %dma_start3A_30 = tpu.memref_slice %arg5[%dma_start3A_28, %dma_start3A_29] : memref<8x16xi32, #tpu.memory_space<vmem>> -> memref<1x16xi32, #tpu.memory_space<vmem>>
    %dma_start3A_31 = tpu.memref_squeeze %dma_start3A_30 : memref<1x16xi32, #tpu.memory_space<vmem>> -> memref<16xi32, #tpu.memory_space<vmem>>
    %dma_start3A_32 = arith.constant 0 : i32
    %dma_start3A_33 = arith.constant 0 : i32
    %dma_start3A_34 = tpu.memref_slice %arg4[%dma_start3A_32, %dma_start3A_33] : memref<4096x1024xf32, #tpu.memory_space<hbm>> -> memref<4096x1024xf32, #tpu.memory_space<hbm>>
    tpu.enqueue_indirect_dma source(%arg6 : memref<16x1024xf32, #tpu.memory_space<vmem>>) target(%dma_start3A_34 : memref<4096x1024xf32, #tpu.memory_space<hbm>>) offsets(%dma_start3A_31 : memref<16xi32, #tpu.memory_space<vmem>>) semaphore(%arg8 : memref<!tpu.dma_semaphore, #tpu.memory_space<semaphore_mem>>)
    %dma_wait3A_35 = arith.constant 1 : i32
    %dma_wait3A_36 = arith.constant 0 : i32
    %dma_wait3A_37 = tpu.memref_slice %arg5[%dma_wait3A_35, %dma_wait3A_36] : memref<8x16xi32, #tpu.memory_space<vmem>> -> memref<1x16xi32, #tpu.memory_space<vmem>>
    %dma_wait3A_38 = tpu.memref_squeeze %dma_wait3A_37 : memref<1x16xi32, #tpu.memory_space<vmem>> -> memref<16xi32, #tpu.memory_space<vmem>>
    %dma_wait3A_39 = arith.constant 0 : i32
    %dma_wait3A_40 = arith.constant 0 : i32
    %dma_wait3A_41 = tpu.memref_slice %arg4[%dma_wait3A_39, %dma_wait3A_40] : memref<4096x1024xf32, #tpu.memory_space<hbm>> -> memref<4096x1024xf32, #tpu.memory_space<hbm>>
    tpu.wait_indirect_dma semaphore(%arg9 : memref<!tpu.dma_semaphore, #tpu.memory_space<semaphore_mem>>) src(%arg7 : memref<16x1024xf32, #tpu.memory_space<vmem>>) dst(%dma_wait3A_41 : memref<4096x1024xf32, #tpu.memory_space<hbm>>)
    %add3A_42 = arith.constant 48 : i32
    %add3A_43 = arith.addi %mul3A_2, %add3A_42 : i32
    "tpu.region"() ({
      %run_scoped3A = tpu.sem_alloc : memref<!tpu.dma_semaphore, #tpu.memory_space<semaphore_mem>>
      %dma_start3A_129 = arith.constant 0 : i32
      %dma_start3A_130 = tpu.memref_slice %arg3[%add3A_43, %dma_start3A_129] : memref<4096x1024xf32, #tpu.memory_space<hbm>> -> memref<16x1024xf32, #tpu.memory_space<hbm>>
      %dma_start3A_131 = arith.constant 0 : i32
      %dma_start3A_132 = tpu.memref_slice %arg3[%add3A_43, %dma_start3A_131] : memref<4096x1024xf32, #tpu.memory_space<hbm>> -> memref<16x1024xf32, #tpu.memory_space<hbm>>
      tpu.enqueue_dma source(%dma_start3A_132 : memref<16x1024xf32, #tpu.memory_space<hbm>>) target(%arg7 : memref<16x1024xf32, #tpu.memory_space<vmem>>) target_semaphore(%run_scoped3A : memref<!tpu.dma_semaphore, #tpu.memory_space<semaphore_mem>>)
      %dma_wait3A_133 = arith.constant 0 : i32
      %dma_wait3A_134 = tpu.memref_slice %arg3[%add3A_43, %dma_wait3A_133] : memref<4096x1024xf32, #tpu.memory_space<hbm>> -> memref<16x1024xf32, #tpu.memory_space<hbm>>
      %dma_wait3A_135 = arith.constant 0 : i32
      %dma_wait3A_136 = tpu.memref_slice %arg3[%add3A_43, %dma_wait3A_135] : memref<4096x1024xf32, #tpu.memory_space<hbm>> -> memref<16x1024xf32, #tpu.memory_space<hbm>>
      tpu.wait_dma2 semaphore(%run_scoped3A : memref<!tpu.dma_semaphore, #tpu.memory_space<semaphore_mem>>) src(%dma_wait3A_136 : memref<16x1024xf32, #tpu.memory_space<hbm>>) dst(%arg7 : memref<16x1024xf32, #tpu.memory_space<vmem>>)
      tpu.yield
    }) : () -> ()
    %dma_start3A_44 = arith.constant 3 : i32
    %dma_start3A_45 = arith.constant 0 : i32
    %dma_start3A_46 = tpu.memref_slice %arg5[%dma_start3A_44, %dma_start3A_45] : memref<8x16xi32, #tpu.memory_space<vmem>> -> memref<1x16xi32, #tpu.memory_space<vmem>>
    %dma_start3A_47 = tpu.memref_squeeze %dma_start3A_46 : memref<1x16xi32, #tpu.memory_space<vmem>> -> memref<16xi32, #tpu.memory_space<vmem>>
    %dma_start3A_48 = arith.constant 0 : i32
    %dma_start3A_49 = arith.constant 0 : i32
    %dma_start3A_50 = tpu.memref_slice %arg4[%dma_start3A_48, %dma_start3A_49] : memref<4096x1024xf32, #tpu.memory_space<hbm>> -> memref<4096x1024xf32, #tpu.memory_space<hbm>>
    tpu.enqueue_indirect_dma source(%arg7 : memref<16x1024xf32, #tpu.memory_space<vmem>>) target(%dma_start3A_50 : memref<4096x1024xf32, #tpu.memory_space<hbm>>) offsets(%dma_start3A_47 : memref<16xi32, #tpu.memory_space<vmem>>) semaphore(%arg9 : memref<!tpu.dma_semaphore, #tpu.memory_space<semaphore_mem>>)
    %dma_wait3A_51 = arith.constant 2 : i32
    %dma_wait3A_52 = arith.constant 0 : i32
    %dma_wait3A_53 = tpu.memref_slice %arg5[%dma_wait3A_51, %dma_wait3A_52] : memref<8x16xi32, #tpu.memory_space<vmem>> -> memref<1x16xi32, #tpu.memory_space<vmem>>
    %dma_wait3A_54 = tpu.memref_squeeze %dma_wait3A_53 : memref<1x16xi32, #tpu.memory_space<vmem>> -> memref<16xi32, #tpu.memory_space<vmem>>
    %dma_wait3A_55 = arith.constant 0 : i32
    %dma_wait3A_56 = arith.constant 0 : i32
    %dma_wait3A_57 = tpu.memref_slice %arg4[%dma_wait3A_55, %dma_wait3A_56] : memref<4096x1024xf32, #tpu.memory_space<hbm>> -> memref<4096x1024xf32, #tpu.memory_space<hbm>>
    tpu.wait_indirect_dma semaphore(%arg8 : memref<!tpu.dma_semaphore, #tpu.memory_space<semaphore_mem>>) src(%arg6 : memref<16x1024xf32, #tpu.memory_space<vmem>>) dst(%dma_wait3A_57 : memref<4096x1024xf32, #tpu.memory_space<hbm>>)
    %add3A_58 = arith.constant 64 : i32
    %add3A_59 = arith.addi %mul3A_2, %add3A_58 : i32
    "tpu.region"() ({
      %run_scoped3A = tpu.sem_alloc : memref<!tpu.dma_semaphore, #tpu.memory_space<semaphore_mem>>
      %dma_start3A_129 = arith.constant 0 : i32
      %dma_start3A_130 = tpu.memref_slice %arg3[%add3A_59, %dma_start3A_129] : memref<4096x1024xf32, #tpu.memory_space<hbm>> -> memref<16x1024xf32, #tpu.memory_space<hbm>>
      %dma_start3A_131 = arith.constant 0 : i32
      %dma_start3A_132 = tpu.memref_slice %arg3[%add3A_59, %dma_start3A_131] : memref<4096x1024xf32, #tpu.memory_space<hbm>> -> memref<16x1024xf32, #tpu.memory_space<hbm>>
      tpu.enqueue_dma source(%dma_start3A_132 : memref<16x1024xf32, #tpu.memory_space<hbm>>) target(%arg6 : memref<16x1024xf32, #tpu.memory_space<vmem>>) target_semaphore(%run_scoped3A : memref<!tpu.dma_semaphore, #tpu.memory_space<semaphore_mem>>)
      %dma_wait3A_133 = arith.constant 0 : i32
      %dma_wait3A_134 = tpu.memref_slice %arg3[%add3A_59, %dma_wait3A_133] : memref<4096x1024xf32, #tpu.memory_space<hbm>> -> memref<16x1024xf32, #tpu.memory_space<hbm>>
      %dma_wait3A_135 = arith.constant 0 : i32
      %dma_wait3A_136 = tpu.memref_slice %arg3[%add3A_59, %dma_wait3A_135] : memref<4096x1024xf32, #tpu.memory_space<hbm>> -> memref<16x1024xf32, #tpu.memory_space<hbm>>
      tpu.wait_dma2 semaphore(%run_scoped3A : memref<!tpu.dma_semaphore, #tpu.memory_space<semaphore_mem>>) src(%dma_wait3A_136 : memref<16x1024xf32, #tpu.memory_space<hbm>>) dst(%arg6 : memref<16x1024xf32, #tpu.memory_space<vmem>>)
      tpu.yield
    }) : () -> ()
    %dma_start3A_60 = arith.constant 4 : i32
    %dma_start3A_61 = arith.constant 0 : i32
    %dma_start3A_62 = tpu.memref_slice %arg5[%dma_start3A_60, %dma_start3A_61] : memref<8x16xi32, #tpu.memory_space<vmem>> -> memref<1x16xi32, #tpu.memory_space<vmem>>
    %dma_start3A_63 = tpu.memref_squeeze %dma_start3A_62 : memref<1x16xi32, #tpu.memory_space<vmem>> -> memref<16xi32, #tpu.memory_space<vmem>>
    %dma_start3A_64 = arith.constant 0 : i32
    %dma_start3A_65 = arith.constant 0 : i32
    %dma_start3A_66 = tpu.memref_slice %arg4[%dma_start3A_64, %dma_start3A_65] : memref<4096x1024xf32, #tpu.memory_space<hbm>> -> memref<4096x1024xf32, #tpu.memory_space<hbm>>
    tpu.enqueue_indirect_dma source(%arg6 : memref<16x1024xf32, #tpu.memory_space<vmem>>) target(%dma_start3A_66 : memref<4096x1024xf32, #tpu.memory_space<hbm>>) offsets(%dma_start3A_63 : memref<16xi32, #tpu.memory_space<vmem>>) semaphore(%arg8 : memref<!tpu.dma_semaphore, #tpu.memory_space<semaphore_mem>>)
    %dma_wait3A_67 = arith.constant 3 : i32
    %dma_wait3A_68 = arith.constant 0 : i32
    %dma_wait3A_69 = tpu.memref_slice %arg5[%dma_wait3A_67, %dma_wait3A_68] : memref<8x16xi32, #tpu.memory_space<vmem>> -> memref<1x16xi32, #tpu.memory_space<vmem>>
    %dma_wait3A_70 = tpu.memref_squeeze %dma_wait3A_69 : memref<1x16xi32, #tpu.memory_space<vmem>> -> memref<16xi32, #tpu.memory_space<vmem>>
    %dma_wait3A_71 = arith.constant 0 : i32
    %dma_wait3A_72 = arith.constant 0 : i32
    %dma_wait3A_73 = tpu.memref_slice %arg4[%dma_wait3A_71, %dma_wait3A_72] : memref<4096x1024xf32, #tpu.memory_space<hbm>> -> memref<4096x1024xf32, #tpu.memory_space<hbm>>
    tpu.wait_indirect_dma semaphore(%arg9 : memref<!tpu.dma_semaphore, #tpu.memory_space<semaphore_mem>>) src(%arg7 : memref<16x1024xf32, #tpu.memory_space<vmem>>) dst(%dma_wait3A_73 : memref<4096x1024xf32, #tpu.memory_space<hbm>>)
    %add3A_74 = arith.constant 80 : i32
    %add3A_75 = arith.addi %mul3A_2, %add3A_74 : i32
    "tpu.region"() ({
      %run_scoped3A = tpu.sem_alloc : memref<!tpu.dma_semaphore, #tpu.memory_space<semaphore_mem>>
      %dma_start3A_129 = arith.constant 0 : i32
      %dma_start3A_130 = tpu.memref_slice %arg3[%add3A_75, %dma_start3A_129] : memref<4096x1024xf32, #tpu.memory_space<hbm>> -> memref<16x1024xf32, #tpu.memory_space<hbm>>
      %dma_start3A_131 = arith.constant 0 : i32
      %dma_start3A_132 = tpu.memref_slice %arg3[%add3A_75, %dma_start3A_131] : memref<4096x1024xf32, #tpu.memory_space<hbm>> -> memref<16x1024xf32, #tpu.memory_space<hbm>>
      tpu.enqueue_dma source(%dma_start3A_132 : memref<16x1024xf32, #tpu.memory_space<hbm>>) target(%arg7 : memref<16x1024xf32, #tpu.memory_space<vmem>>) target_semaphore(%run_scoped3A : memref<!tpu.dma_semaphore, #tpu.memory_space<semaphore_mem>>)
      %dma_wait3A_133 = arith.constant 0 : i32
      %dma_wait3A_134 = tpu.memref_slice %arg3[%add3A_75, %dma_wait3A_133] : memref<4096x1024xf32, #tpu.memory_space<hbm>> -> memref<16x1024xf32, #tpu.memory_space<hbm>>
      %dma_wait3A_135 = arith.constant 0 : i32
      %dma_wait3A_136 = tpu.memref_slice %arg3[%add3A_75, %dma_wait3A_135] : memref<4096x1024xf32, #tpu.memory_space<hbm>> -> memref<16x1024xf32, #tpu.memory_space<hbm>>
      tpu.wait_dma2 semaphore(%run_scoped3A : memref<!tpu.dma_semaphore, #tpu.memory_space<semaphore_mem>>) src(%dma_wait3A_136 : memref<16x1024xf32, #tpu.memory_space<hbm>>) dst(%arg7 : memref<16x1024xf32, #tpu.memory_space<vmem>>)
      tpu.yield
    }) : () -> ()
    %dma_start3A_76 = arith.constant 5 : i32
    %dma_start3A_77 = arith.constant 0 : i32
    %dma_start3A_78 = tpu.memref_slice %arg5[%dma_start3A_76, %dma_start3A_77] : memref<8x16xi32, #tpu.memory_space<vmem>> -> memref<1x16xi32, #tpu.memory_space<vmem>>
    %dma_start3A_79 = tpu.memref_squeeze %dma_start3A_78 : memref<1x16xi32, #tpu.memory_space<vmem>> -> memref<16xi32, #tpu.memory_space<vmem>>
    %dma_start3A_80 = arith.constant 0 : i32
    %dma_start3A_81 = arith.constant 0 : i32
    %dma_start3A_82 = tpu.memref_slice %arg4[%dma_start3A_80, %dma_start3A_81] : memref<4096x1024xf32, #tpu.memory_space<hbm>> -> memref<4096x1024xf32, #tpu.memory_space<hbm>>
    tpu.enqueue_indirect_dma source(%arg7 : memref<16x1024xf32, #tpu.memory_space<vmem>>) target(%dma_start3A_82 : memref<4096x1024xf32, #tpu.memory_space<hbm>>) offsets(%dma_start3A_79 : memref<16xi32, #tpu.memory_space<vmem>>) semaphore(%arg9 : memref<!tpu.dma_semaphore, #tpu.memory_space<semaphore_mem>>)
    %dma_wait3A_83 = arith.constant 4 : i32
    %dma_wait3A_84 = arith.constant 0 : i32
    %dma_wait3A_85 = tpu.memref_slice %arg5[%dma_wait3A_83, %dma_wait3A_84] : memref<8x16xi32, #tpu.memory_space<vmem>> -> memref<1x16xi32, #tpu.memory_space<vmem>>
    %dma_wait3A_86 = tpu.memref_squeeze %dma_wait3A_85 : memref<1x16xi32, #tpu.memory_space<vmem>> -> memref<16xi32, #tpu.memory_space<vmem>>
    %dma_wait3A_87 = arith.constant 0 : i32
    %dma_wait3A_88 = arith.constant 0 : i32
    %dma_wait3A_89 = tpu.memref_slice %arg4[%dma_wait3A_87, %dma_wait3A_88] : memref<4096x1024xf32, #tpu.memory_space<hbm>> -> memref<4096x1024xf32, #tpu.memory_space<hbm>>
    tpu.wait_indirect_dma semaphore(%arg8 : memref<!tpu.dma_semaphore, #tpu.memory_space<semaphore_mem>>) src(%arg6 : memref<16x1024xf32, #tpu.memory_space<vmem>>) dst(%dma_wait3A_89 : memref<4096x1024xf32, #tpu.memory_space<hbm>>)
    %add3A_90 = arith.constant 96 : i32
    %add3A_91 = arith.addi %mul3A_2, %add3A_90 : i32
    "tpu.region"() ({
      %run_scoped3A = tpu.sem_alloc : memref<!tpu.dma_semaphore, #tpu.memory_space<semaphore_mem>>
      %dma_start3A_129 = arith.constant 0 : i32
      %dma_start3A_130 = tpu.memref_slice %arg3[%add3A_91, %dma_start3A_129] : memref<4096x1024xf32, #tpu.memory_space<hbm>> -> memref<16x1024xf32, #tpu.memory_space<hbm>>
      %dma_start3A_131 = arith.constant 0 : i32
      %dma_start3A_132 = tpu.memref_slice %arg3[%add3A_91, %dma_start3A_131] : memref<4096x1024xf32, #tpu.memory_space<hbm>> -> memref<16x1024xf32, #tpu.memory_space<hbm>>
      tpu.enqueue_dma source(%dma_start3A_132 : memref<16x1024xf32, #tpu.memory_space<hbm>>) target(%arg6 : memref<16x1024xf32, #tpu.memory_space<vmem>>) target_semaphore(%run_scoped3A : memref<!tpu.dma_semaphore, #tpu.memory_space<semaphore_mem>>)
      %dma_wait3A_133 = arith.constant 0 : i32
      %dma_wait3A_134 = tpu.memref_slice %arg3[%add3A_91, %dma_wait3A_133] : memref<4096x1024xf32, #tpu.memory_space<hbm>> -> memref<16x1024xf32, #tpu.memory_space<hbm>>
      %dma_wait3A_135 = arith.constant 0 : i32
      %dma_wait3A_136 = tpu.memref_slice %arg3[%add3A_91, %dma_wait3A_135] : memref<4096x1024xf32, #tpu.memory_space<hbm>> -> memref<16x1024xf32, #tpu.memory_space<hbm>>
      tpu.wait_dma2 semaphore(%run_scoped3A : memref<!tpu.dma_semaphore, #tpu.memory_space<semaphore_mem>>) src(%dma_wait3A_136 : memref<16x1024xf32, #tpu.memory_space<hbm>>) dst(%arg6 : memref<16x1024xf32, #tpu.memory_space<vmem>>)
      tpu.yield
    }) : () -> ()
    %dma_start3A_92 = arith.constant 6 : i32
    %dma_start3A_93 = arith.constant 0 : i32
    %dma_start3A_94 = tpu.memref_slice %arg5[%dma_start3A_92, %dma_start3A_93] : memref<8x16xi32, #tpu.memory_space<vmem>> -> memref<1x16xi32, #tpu.memory_space<vmem>>
    %dma_start3A_95 = tpu.memref_squeeze %dma_start3A_94 : memref<1x16xi32, #tpu.memory_space<vmem>> -> memref<16xi32, #tpu.memory_space<vmem>>
    %dma_start3A_96 = arith.constant 0 : i32
    %dma_start3A_97 = arith.constant 0 : i32
    %dma_start3A_98 = tpu.memref_slice %arg4[%dma_start3A_96, %dma_start3A_97] : memref<4096x1024xf32, #tpu.memory_space<hbm>> -> memref<4096x1024xf32, #tpu.memory_space<hbm>>
    tpu.enqueue_indirect_dma source(%arg6 : memref<16x1024xf32, #tpu.memory_space<vmem>>) target(%dma_start3A_98 : memref<4096x1024xf32, #tpu.memory_space<hbm>>) offsets(%dma_start3A_95 : memref<16xi32, #tpu.memory_space<vmem>>) semaphore(%arg8 : memref<!tpu.dma_semaphore, #tpu.memory_space<semaphore_mem>>)
    %dma_wait3A_99 = arith.constant 5 : i32
    %dma_wait3A_100 = arith.constant 0 : i32
    %dma_wait3A_101 = tpu.memref_slice %arg5[%dma_wait3A_99, %dma_wait3A_100] : memref<8x16xi32, #tpu.memory_space<vmem>> -> memref<1x16xi32, #tpu.memory_space<vmem>>
    %dma_wait3A_102 = tpu.memref_squeeze %dma_wait3A_101 : memref<1x16xi32, #tpu.memory_space<vmem>> -> memref<16xi32, #tpu.memory_space<vmem>>
    %dma_wait3A_103 = arith.constant 0 : i32
    %dma_wait3A_104 = arith.constant 0 : i32
    %dma_wait3A_105 = tpu.memref_slice %arg4[%dma_wait3A_103, %dma_wait3A_104] : memref<4096x1024xf32, #tpu.memory_space<hbm>> -> memref<4096x1024xf32, #tpu.memory_space<hbm>>
    tpu.wait_indirect_dma semaphore(%arg9 : memref<!tpu.dma_semaphore, #tpu.memory_space<semaphore_mem>>) src(%arg7 : memref<16x1024xf32, #tpu.memory_space<vmem>>) dst(%dma_wait3A_105 : memref<4096x1024xf32, #tpu.memory_space<hbm>>)
    %add3A_106 = arith.constant 112 : i32
    %add3A_107 = arith.addi %mul3A_2, %add3A_106 : i32
    "tpu.region"() ({
      %run_scoped3A = tpu.sem_alloc : memref<!tpu.dma_semaphore, #tpu.memory_space<semaphore_mem>>
      %dma_start3A_129 = arith.constant 0 : i32
      %dma_start3A_130 = tpu.memref_slice %arg3[%add3A_107, %dma_start3A_129] : memref<4096x1024xf32, #tpu.memory_space<hbm>> -> memref<16x1024xf32, #tpu.memory_space<hbm>>
      %dma_start3A_131 = arith.constant 0 : i32
      %dma_start3A_132 = tpu.memref_slice %arg3[%add3A_107, %dma_start3A_131] : memref<4096x1024xf32, #tpu.memory_space<hbm>> -> memref<16x1024xf32, #tpu.memory_space<hbm>>
      tpu.enqueue_dma source(%dma_start3A_132 : memref<16x1024xf32, #tpu.memory_space<hbm>>) target(%arg7 : memref<16x1024xf32, #tpu.memory_space<vmem>>) target_semaphore(%run_scoped3A : memref<!tpu.dma_semaphore, #tpu.memory_space<semaphore_mem>>)
      %dma_wait3A_133 = arith.constant 0 : i32
      %dma_wait3A_134 = tpu.memref_slice %arg3[%add3A_107, %dma_wait3A_133] : memref<4096x1024xf32, #tpu.memory_space<hbm>> -> memref<16x1024xf32, #tpu.memory_space<hbm>>
      %dma_wait3A_135 = arith.constant 0 : i32
      %dma_wait3A_136 = tpu.memref_slice %arg3[%add3A_107, %dma_wait3A_135] : memref<4096x1024xf32, #tpu.memory_space<hbm>> -> memref<16x1024xf32, #tpu.memory_space<hbm>>
      tpu.wait_dma2 semaphore(%run_scoped3A : memref<!tpu.dma_semaphore, #tpu.memory_space<semaphore_mem>>) src(%dma_wait3A_136 : memref<16x1024xf32, #tpu.memory_space<hbm>>) dst(%arg7 : memref<16x1024xf32, #tpu.memory_space<vmem>>)
      tpu.yield
    }) : () -> ()
    %dma_start3A_108 = arith.constant 7 : i32
    %dma_start3A_109 = arith.constant 0 : i32
    %dma_start3A_110 = tpu.memref_slice %arg5[%dma_start3A_108, %dma_start3A_109] : memref<8x16xi32, #tpu.memory_space<vmem>> -> memref<1x16xi32, #tpu.memory_space<vmem>>
    %dma_start3A_111 = tpu.memref_squeeze %dma_start3A_110 : memref<1x16xi32, #tpu.memory_space<vmem>> -> memref<16xi32, #tpu.memory_space<vmem>>
    %dma_start3A_112 = arith.constant 0 : i32
    %dma_start3A_113 = arith.constant 0 : i32
    %dma_start3A_114 = tpu.memref_slice %arg4[%dma_start3A_112, %dma_start3A_113] : memref<4096x1024xf32, #tpu.memory_space<hbm>> -> memref<4096x1024xf32, #tpu.memory_space<hbm>>
    tpu.enqueue_indirect_dma source(%arg7 : memref<16x1024xf32, #tpu.memory_space<vmem>>) target(%dma_start3A_114 : memref<4096x1024xf32, #tpu.memory_space<hbm>>) offsets(%dma_start3A_111 : memref<16xi32, #tpu.memory_space<vmem>>) semaphore(%arg9 : memref<!tpu.dma_semaphore, #tpu.memory_space<semaphore_mem>>)
    %dma_wait3A_115 = arith.constant 6 : i32
    %dma_wait3A_116 = arith.constant 0 : i32
    %dma_wait3A_117 = tpu.memref_slice %arg5[%dma_wait3A_115, %dma_wait3A_116] : memref<8x16xi32, #tpu.memory_space<vmem>> -> memref<1x16xi32, #tpu.memory_space<vmem>>
    %dma_wait3A_118 = tpu.memref_squeeze %dma_wait3A_117 : memref<1x16xi32, #tpu.memory_space<vmem>> -> memref<16xi32, #tpu.memory_space<vmem>>
    %dma_wait3A_119 = arith.constant 0 : i32
    %dma_wait3A_120 = arith.constant 0 : i32
    %dma_wait3A_121 = tpu.memref_slice %arg4[%dma_wait3A_119, %dma_wait3A_120] : memref<4096x1024xf32, #tpu.memory_space<hbm>> -> memref<4096x1024xf32, #tpu.memory_space<hbm>>
    tpu.wait_indirect_dma semaphore(%arg8 : memref<!tpu.dma_semaphore, #tpu.memory_space<semaphore_mem>>) src(%arg6 : memref<16x1024xf32, #tpu.memory_space<vmem>>) dst(%dma_wait3A_121 : memref<4096x1024xf32, #tpu.memory_space<hbm>>)
    %dma_wait3A_122 = arith.constant 7 : i32
    %dma_wait3A_123 = arith.constant 0 : i32
    %dma_wait3A_124 = tpu.memref_slice %arg5[%dma_wait3A_122, %dma_wait3A_123] : memref<8x16xi32, #tpu.memory_space<vmem>> -> memref<1x16xi32, #tpu.memory_space<vmem>>
    %dma_wait3A_125 = tpu.memref_squeeze %dma_wait3A_124 : memref<1x16xi32, #tpu.memory_space<vmem>> -> memref<16xi32, #tpu.memory_space<vmem>>
    %dma_wait3A_126 = arith.constant 0 : i32
    %dma_wait3A_127 = arith.constant 0 : i32
    %dma_wait3A_128 = tpu.memref_slice %arg4[%dma_wait3A_126, %dma_wait3A_127] : memref<4096x1024xf32, #tpu.memory_space<hbm>> -> memref<4096x1024xf32, #tpu.memory_space<hbm>>
    tpu.wait_indirect_dma semaphore(%arg9 : memref<!tpu.dma_semaphore, #tpu.memory_space<semaphore_mem>>) src(%arg7 : memref<16x1024xf32, #tpu.memory_space<vmem>>) dst(%dma_wait3A_128 : memref<4096x1024xf32, #tpu.memory_space<hbm>>)
    return
  }
}

module attributes {stable_mosaic.version = 14 : i64} {
  func.func @_gate_body(%arg0: i32, %arg1: memref<128x1024xf32, #tpu.memory_space<vmem>>, %arg2: memref<1024x8xf32, #tpu.memory_space<vmem>>, %arg3: memref<1x8xf32, #tpu.memory_space<vmem>>, %arg4: memref<128x8xf32, #tpu.memory_space<vmem>>, %arg5: memref<128x1xi32, #tpu.memory_space<vmem>>, %arg6: memref<1x1x8xf32, #tpu.memory_space<vmem>>) attributes {dimension_semantics = [#tpu.dimension_semantics<arbitrary>], iteration_bounds = array<i64: 32>, scalar_prefetch = 0 : i64, scratch_operands = 0 : i64, tpu.core_type = #tpu.core_type<tc>, window_params = [{transform_indices = @transform_0, window_bounds = array<i64: 128, 1024>}, {pipeline_mode = #tpu.pipeline_mode<synchronous>, transform_indices = @transform_1, window_bounds = array<i64: 1024, 8>}, {pipeline_mode = #tpu.pipeline_mode<synchronous>, transform_indices = @transform_2, window_bounds = array<i64: 1, 8>}, {transform_indices = @transform_3, window_bounds = array<i64: 128, 8>}, {transform_indices = @transform_4, window_bounds = array<i64: 128, 1>}, {transform_indices = @transform_5, window_bounds = array<i64: 1, 1, 8>}]} {
    %get3A = arith.constant 0 : index
    %get3A_0 = arith.constant 0 : index
    %get3A_1 = vector.load %arg1[%get3A, %get3A_0] : memref<128x1024xf32, #tpu.memory_space<vmem>>, vector<128x1024xf32>
    %get3A_2 = arith.constant 0 : index
    %get3A_3 = arith.constant 0 : index
    %get3A_4 = vector.load %arg2[%get3A_2, %get3A_3] : memref<1024x8xf32, #tpu.memory_space<vmem>>, vector<1024x8xf32>
    %dot_general3A = arith.constant dense<0.000000e+00> : vector<128x8xf32>
    %dot_general3A_5 = tpu.matmul %get3A_1, %get3A_4, %dot_general3A {dimension_numbers = #tpu.dot_dimension_numbers<[1], [0], [0], [1], [0, 0, 1, 1], [], []>, transpose_lhs_hint = false} : vector<128x1024xf32>, vector<1024x8xf32>, vector<128x8xf32> -> vector<128x8xf32>
    %get3A_6 = arith.constant 0 : index
    %get3A_7 = arith.constant 0 : index
    %get3A_8 = vector.load %arg3[%get3A_6, %get3A_7] : memref<1x8xf32, #tpu.memory_space<vmem>>, vector<1x8xf32>
    %add3A = vector.broadcast %get3A_8 : vector<1x8xf32> to vector<128x8xf32>
    %add3A_9 = arith.addf %dot_general3A_5, %add3A : vector<128x8xf32>
    %iota3A = tpu.iota {dimensions = array<i32: 1>} : vector<128x8xi32>
    %reduce_max3A = arith.constant dense<0xFF800000> : vector<128xf32>
    %reduce_max3A_10 = vector.multi_reduction <maximumf>, %add3A_9, %reduce_max3A [1] : vector<128x8xf32> to vector<128xf32>
    %broadcast_in_dim3A = vector.shape_cast %reduce_max3A_10 : vector<128xf32> to vector<128x1xf32>
    %eq3A = vector.broadcast %broadcast_in_dim3A : vector<128x1xf32> to vector<128x8xf32>
    %eq3A_11 = arith.cmpf oeq, %add3A_9, %eq3A : vector<128x8xf32>
    %jit3A = arith.constant 8 : i32
    %broadcast_in_dim3A_12 = vector.broadcast %jit3A : i32 to vector<128x8xi32>
    %select_n3A = arith.select %eq3A_11, %iota3A, %broadcast_in_dim3A_12 : vector<128x8xi1>, vector<128x8xi32>
    %reduce_min3A = arith.constant dense<2147483647> : vector<128xi32>
    %reduce_min3A_13 = vector.multi_reduction <minsi>, %select_n3A, %reduce_min3A [1] : vector<128x8xi32> to vector<128xi32>
    %broadcast_in_dim3A_14 = vector.shape_cast %reduce_min3A_13 : vector<128xi32> to vector<128x1xi32>
    %eq3A_15 = vector.broadcast %broadcast_in_dim3A_14 : vector<128x1xi32> to vector<128x8xi32>
    %eq3A_16 = arith.cmpi eq, %iota3A, %eq3A_15 : vector<128x8xi32>
    %convert_element_type3A = arith.extui %eq3A_16 : vector<128x8xi1> to vector<128x8xi32>
    %convert_element_type3A_17 = arith.sitofp %convert_element_type3A : vector<128x8xi32> to vector<128x8xf32>
    %swap3A = arith.constant 0 : index
    %swap3A_18 = arith.constant 0 : index
    %swap3A_19 = vector.load %arg4[%swap3A, %swap3A_18] : memref<128x8xf32, #tpu.memory_space<vmem>>, vector<128x8xf32>
    tpu.vector_store %arg4[%swap3A, %swap3A_18], %convert_element_type3A_17 {strides = array<i32>} : memref<128x8xf32, #tpu.memory_space<vmem>>, vector<128x8xf32>,
    %iota3A_20 = tpu.iota {dimensions = array<i32: 0>} : vector<128x128xi32>
    %iota3A_21 = tpu.iota {dimensions = array<i32: 1>} : vector<128x128xi32>
    %le3A = arith.cmpi sle, %iota3A_21, %iota3A_20 : vector<128x128xi32>
    %convert_element_type3A_22 = arith.extui %le3A : vector<128x128xi1> to vector<128x128xi32>
    %convert_element_type3A_23 = arith.sitofp %convert_element_type3A_22 : vector<128x128xi32> to vector<128x128xf32>
    %dot_general3A_24 = arith.constant dense<0.000000e+00> : vector<128x8xf32>
    %dot_general3A_25 = tpu.matmul %convert_element_type3A_23, %convert_element_type3A_17, %dot_general3A_24 {dimension_numbers = #tpu.dot_dimension_numbers<[1], [0], [0], [1], [0, 0, 1, 1], [], []>, transpose_lhs_hint = false} : vector<128x128xf32>, vector<128x8xf32>, vector<128x8xf32> -> vector<128x8xf32>
    %mul3A = arith.mulf %convert_element_type3A_17, %dot_general3A_25 : vector<128x8xf32>
    %reduce_sum3A = arith.constant dense<0.000000e+00> : vector<128xf32>
    %reduce_sum3A_26 = vector.multi_reduction <add>, %mul3A, %reduce_sum3A [1] : vector<128x8xf32> to vector<128xf32>
    %broadcast_in_dim3A_27 = vector.shape_cast %reduce_sum3A_26 : vector<128xf32> to vector<128x1xf32>
    %sub3A = arith.constant 1.000000e+00 : f32
    %sub3A_28 = vector.broadcast %sub3A : f32 to vector<128x1xf32>
    %sub3A_29 = arith.subf %broadcast_in_dim3A_27, %sub3A_28 : vector<128x1xf32>
    %convert_element_type3A_30 = arith.fptosi %sub3A_29 : vector<128x1xf32> to vector<128x1xi32>
    %swap3A_31 = arith.constant 0 : index
    %swap3A_32 = arith.constant 0 : index
    %swap3A_33 = vector.load %arg5[%swap3A_31, %swap3A_32] : memref<128x1xi32, #tpu.memory_space<vmem>>, vector<128x1xi32>
    tpu.vector_store %arg5[%swap3A_31, %swap3A_32], %convert_element_type3A_30 {strides = array<i32>} : memref<128x1xi32, #tpu.memory_space<vmem>>, vector<128x1xi32>,
    %slice3A = vector.extract_strided_slice %dot_general3A_25 {offsets = [127, 0], sizes = [1, 8], strides = [1, 1]} : vector<128x8xf32> to vector<1x8xf32>
    %reshape3A = vector.shape_cast %slice3A : vector<1x8xf32> to vector<1x1x8xf32>
    %swap3A_34 = arith.constant 0 : index
    %swap3A_35 = arith.constant 0 : index
    %swap3A_36 = arith.constant 0 : index
    %swap3A_37 = vector.load %arg6[%swap3A_34, %swap3A_35, %swap3A_36] : memref<1x1x8xf32, #tpu.memory_space<vmem>>, vector<1x1x8xf32>
    tpu.vector_store %arg6[%swap3A_34, %swap3A_35, %swap3A_36], %reshape3A {strides = array<i32>} : memref<1x1x8xf32, #tpu.memory_space<vmem>>, vector<1x1x8xf32>,
    return
  }
  func.func @transform_0(%arg0: i32) -> (i32, i32) {
    %c0_i32 = arith.constant 0 : i32
    %c0_i32_0 = arith.constant 0 : i32
    return %arg0, %c0_i32 : i32, i32
  }
  func.func @transform_1(%arg0: i32) -> (i32, i32) {
    %c0_i32 = arith.constant 0 : i32
    %c0_i32_0 = arith.constant 0 : i32
    %c0_i32_1 = arith.constant 0 : i32
    return %c0_i32, %c0_i32_0 : i32, i32
  }
  func.func @transform_2(%arg0: i32) -> (i32, i32) {
    %c0_i32 = arith.constant 0 : i32
    %c0_i32_0 = arith.constant 0 : i32
    %c0_i32_1 = arith.constant 0 : i32
    return %c0_i32, %c0_i32_0 : i32, i32
  }
  func.func @transform_3(%arg0: i32) -> (i32, i32) {
    %c0_i32 = arith.constant 0 : i32
    %c0_i32_0 = arith.constant 0 : i32
    return %arg0, %c0_i32 : i32, i32
  }
  func.func @transform_4(%arg0: i32) -> (i32, i32) {
    %c0_i32 = arith.constant 0 : i32
    %c0_i32_0 = arith.constant 0 : i32
    return %arg0, %c0_i32 : i32, i32
  }
  func.func @transform_5(%arg0: i32) -> (i32, i32, i32) {
    %c0_i32 = arith.constant 0 : i32
    %c0_i32_0 = arith.constant 0 : i32
    %c0_i32_1 = arith.constant 0 : i32
    return %arg0, %c0_i32, %c0_i32_0 : i32, i32, i32
  }
}

module attributes {stable_mosaic.version = 14 : i64} {
  func.func @_pos_body(%arg0: i32, %arg1: memref<128x8xf32, #tpu.memory_space<vmem>>, %arg2: memref<128x1xi32, #tpu.memory_space<vmem>>, %arg3: memref<1x1x8xf32, #tpu.memory_space<vmem>>, %arg4: memref<128x1xi32, #tpu.memory_space<vmem>>) attributes {dimension_semantics = [#tpu.dimension_semantics<arbitrary>], iteration_bounds = array<i64: 32>, scalar_prefetch = 0 : i64, scratch_operands = 0 : i64, tpu.core_type = #tpu.core_type<tc>, window_params = [{transform_indices = @transform_0, window_bounds = array<i64: 128, 8>}, {transform_indices = @transform_1, window_bounds = array<i64: 128, 1>}, {transform_indices = @transform_2, window_bounds = array<i64: 1, 1, 8>}, {transform_indices = @transform_3, window_bounds = array<i64: 128, 1>}]} {
    %get3A = arith.constant 0 : index
    %get3A_0 = arith.constant 0 : index
    %get3A_1 = arith.constant 0 : index
    %get3A_2 = vector.load %arg3[%get3A, %get3A_0, %get3A_1] : memref<1x1x8xf32, #tpu.memory_space<vmem>>, vector<1x1x8xf32>
    %reshape3A = vector.shape_cast %get3A_2 : vector<1x1x8xf32> to vector<1x8xf32>
    %get3A_3 = arith.constant 0 : index
    %get3A_4 = arith.constant 0 : index
    %get3A_5 = vector.load %arg1[%get3A_3, %get3A_4] : memref<128x8xf32, #tpu.memory_space<vmem>>, vector<128x8xf32>
    %mul3A = vector.broadcast %reshape3A : vector<1x8xf32> to vector<128x8xf32>
    %mul3A_6 = arith.mulf %get3A_5, %mul3A : vector<128x8xf32>
    %reduce_sum3A = arith.constant dense<0.000000e+00> : vector<128xf32>
    %reduce_sum3A_7 = vector.multi_reduction <add>, %mul3A_6, %reduce_sum3A [1] : vector<128x8xf32> to vector<128xf32>
    %broadcast_in_dim3A = vector.shape_cast %reduce_sum3A_7 : vector<128xf32> to vector<128x1xf32>
    %get3A_8 = arith.constant 0 : index
    %get3A_9 = arith.constant 0 : index
    %get3A_10 = vector.load %arg2[%get3A_8, %get3A_9] : memref<128x1xi32, #tpu.memory_space<vmem>>, vector<128x1xi32>
    %convert_element_type3A = arith.sitofp %get3A_10 : vector<128x1xi32> to vector<128x1xf32>
    %add3A = arith.addf %convert_element_type3A, %broadcast_in_dim3A : vector<128x1xf32>
    %convert_element_type3A_11 = arith.fptosi %add3A : vector<128x1xf32> to vector<128x1xi32>
    %swap3A = arith.constant 0 : index
    %swap3A_12 = arith.constant 0 : index
    %swap3A_13 = vector.load %arg4[%swap3A, %swap3A_12] : memref<128x1xi32, #tpu.memory_space<vmem>>, vector<128x1xi32>
    tpu.vector_store %arg4[%swap3A, %swap3A_12], %convert_element_type3A_11 {strides = array<i32>} : memref<128x1xi32, #tpu.memory_space<vmem>>, vector<128x1xi32>,
    return
  }
  func.func @transform_0(%arg0: i32) -> (i32, i32) {
    %c0_i32 = arith.constant 0 : i32
    %c0_i32_0 = arith.constant 0 : i32
    return %arg0, %c0_i32 : i32, i32
  }
  func.func @transform_1(%arg0: i32) -> (i32, i32) {
    %c0_i32 = arith.constant 0 : i32
    %c0_i32_0 = arith.constant 0 : i32
    return %arg0, %c0_i32 : i32, i32
  }
  func.func @transform_2(%arg0: i32) -> (i32, i32, i32) {
    %c0_i32 = arith.constant 0 : i32
    %c0_i32_0 = arith.constant 0 : i32
    %c0_i32_1 = arith.constant 0 : i32
    return %arg0, %c0_i32, %c0_i32_0 : i32, i32, i32
  }
  func.func @transform_3(%arg0: i32) -> (i32, i32) {
    %c0_i32 = arith.constant 0 : i32
    %c0_i32_0 = arith.constant 0 : i32
    return %arg0, %c0_i32 : i32, i32
  }
}

module attributes {stable_mosaic.version = 14 : i64} {
  func.func @_gmm_body(%arg0: i32, %arg1: memref<5x23xi32, #tpu.memory_space<smem>>, %arg2: memref<256x1024xf32, #tpu.memory_space<vmem>>, %arg3: memref<1024x512xf32, #tpu.memory_space<vmem>>, %arg4: memref<1x512xf32, #tpu.memory_space<vmem>>, %arg5: memref<512x1024xf32, #tpu.memory_space<vmem>>, %arg6: memref<1x1024xf32, #tpu.memory_space<vmem>>, %arg7: memref<256x1024xf32, #tpu.memory_space<vmem>>) attributes {dimension_semantics = [#tpu.dimension_semantics<arbitrary>], iteration_bounds = array<i64: 23>, scalar_prefetch = 1 : i64, scratch_operands = 0 : i64, tpu.core_type = #tpu.core_type<tc>, window_params = [{transform_indices = @transform_0, window_bounds = array<i64: 256, 1024>}, {transform_indices = @transform_1, window_bounds = array<i64: 1024, 512>}, {transform_indices = @transform_2, window_bounds = array<i64: 1, 512>}, {transform_indices = @transform_3, window_bounds = array<i64: 512, 1024>}, {pipeline_mode = #tpu.pipeline_mode<synchronous>, transform_indices = @transform_4, window_bounds = array<i64: 1, 1024>}, {transform_indices = @transform_5, window_bounds = array<i64: 256, 1024>}]} {
    %get3A = arith.constant 0 : index
    %get3A_0 = arith.index_cast %arg0 : i32 to index
    %get3A_1 = memref.load %arg1[%get3A, %get3A_0] : memref<5x23xi32, #tpu.memory_space<smem>>
    %get3A_2 = arith.constant 2 : index
    %get3A_3 = arith.index_cast %arg0 : i32 to index
    %get3A_4 = memref.load %arg1[%get3A_2, %get3A_3] : memref<5x23xi32, #tpu.memory_space<smem>>
    %get3A_5 = arith.constant 3 : index
    %get3A_6 = arith.index_cast %arg0 : i32 to index
    %get3A_7 = memref.load %arg1[%get3A_5, %get3A_6] : memref<5x23xi32, #tpu.memory_space<smem>>
    %get3A_8 = arith.constant 4 : index
    %get3A_9 = arith.index_cast %arg0 : i32 to index
    %get3A_10 = memref.load %arg1[%get3A_8, %get3A_9] : memref<5x23xi32, #tpu.memory_space<smem>>
    %gt3A = arith.cmpi sgt, %get3A_7, %get3A_4 : i32
    %convert_element_type3A = arith.extui %gt3A : i1 to i32
    %cond3A = arith.constant 0 : i32
    %cond3A_11 = arith.cmpi ne, %convert_element_type3A, %cond3A : i32
    scf.if %cond3A_11 {
      %mul3A = arith.constant 256 : i32
      %mul3A_12 = arith.muli %get3A_1, %mul3A : i32
      %iota3A = tpu.iota {dimensions = array<i32: 0>} : vector<256x1xi32>
      %add3A = vector.broadcast %mul3A_12 : i32 to vector<256x1xi32>
      %add3A_13 = arith.addi %add3A, %iota3A : vector<256x1xi32>
      %ge3A = vector.broadcast %get3A_4 : i32 to vector<256x1xi32>
      %ge3A_14 = arith.cmpi sge, %add3A_13, %ge3A : vector<256x1xi32>
      %lt3A = vector.broadcast %get3A_7 : i32 to vector<256x1xi32>
      %lt3A_15 = arith.cmpi slt, %add3A_13, %lt3A : vector<256x1xi32>
      %and3A = arith.andi %ge3A_14, %lt3A_15 : vector<256x1xi1>
      %get3A_16 = arith.constant 0 : index
      %get3A_17 = arith.constant 0 : index
      %get3A_18 = vector.load %arg2[%get3A_16, %get3A_17] : memref<256x1024xf32, #tpu.memory_space<vmem>>, vector<256x1024xf32>
      %get3A_19 = arith.constant 0 : index
      %get3A_20 = arith.constant 0 : index
      %get3A_21 = vector.load %arg3[%get3A_19, %get3A_20] : memref<1024x512xf32, #tpu.memory_space<vmem>>, vector<1024x512xf32>
      %dot_general3A = arith.constant dense<0.000000e+00> : vector<256x512xf32>
      %dot_general3A_22 = tpu.matmul %get3A_18, %get3A_21, %dot_general3A {dimension_numbers = #tpu.dot_dimension_numbers<[1], [0], [0], [1], [0, 0, 1, 1], [], []>, transpose_lhs_hint = false} : vector<256x1024xf32>, vector<1024x512xf32>, vector<256x512xf32> -> vector<256x512xf32>
      %get3A_23 = arith.constant 0 : index
      %get3A_24 = arith.constant 0 : index
      %get3A_25 = vector.load %arg4[%get3A_23, %get3A_24] : memref<1x512xf32, #tpu.memory_space<vmem>>, vector<1x512xf32>
      %add3A_26 = vector.broadcast %get3A_25 : vector<1x512xf32> to vector<256x512xf32>
      %add3A_27 = arith.addf %dot_general3A_22, %add3A_26 : vector<256x512xf32>
      %max3A = arith.constant 0.000000e+00 : f32
      %max3A_28 = vector.broadcast %max3A : f32 to vector<256x512xf32>
      %max3A_29 = arith.maximumf %add3A_27, %max3A_28 : vector<256x512xf32>
      %get3A_30 = arith.constant 0 : index
      %get3A_31 = arith.constant 0 : index
      %get3A_32 = vector.load %arg5[%get3A_30, %get3A_31] : memref<512x1024xf32, #tpu.memory_space<vmem>>, vector<512x1024xf32>
      %dot_general3A_33 = arith.constant dense<0.000000e+00> : vector<256x1024xf32>
      %dot_general3A_34 = tpu.matmul %max3A_29, %get3A_32, %dot_general3A_33 {dimension_numbers = #tpu.dot_dimension_numbers<[1], [0], [0], [1], [0, 0, 1, 1], [], []>, transpose_lhs_hint = false} : vector<256x512xf32>, vector<512x1024xf32>, vector<256x1024xf32> -> vector<256x1024xf32>
      %jit3A = arith.constant 0.000000e+00 : f32
      %broadcast_in_dim3A = vector.shape_cast %and3A : vector<256x1xi1> to vector<256x1xi1>
      %broadcast_in_dim3A_35 = vector.broadcast %broadcast_in_dim3A : vector<256x1xi1> to vector<256x1024xi1>
      %broadcast_in_dim3A_36 = vector.broadcast %jit3A : f32 to vector<256x1024xf32>
      %select_n3A = arith.select %broadcast_in_dim3A_35, %dot_general3A_34, %broadcast_in_dim3A_36 : vector<256x1024xi1>, vector<256x1024xf32>
      %eq3A = arith.constant 1 : i32
      %eq3A_37 = arith.cmpi eq, %get3A_10, %eq3A : i32
      %convert_element_type3A_38 = arith.extui %eq3A_37 : i1 to i32
      %cond3A_39 = arith.constant 0 : i32
      %cond3A_40 = arith.cmpi ne, %convert_element_type3A_38, %cond3A_39 : i32
      scf.if %cond3A_40 {
        %get3A_46 = arith.constant 0 : index
        %get3A_47 = arith.constant 0 : index
        %get3A_48 = vector.load %arg6[%get3A_46, %get3A_47] : memref<1x1024xf32, #tpu.memory_space<vmem>>, vector<1x1024xf32>
        %add3A_49 = vector.broadcast %get3A_48 : vector<1x1024xf32> to vector<256x1024xf32>
        %add3A_50 = arith.addf %select_n3A, %add3A_49 : vector<256x1024xf32>
        %swap3A = arith.constant 0 : index
        %swap3A_51 = arith.constant 0 : index
        %swap3A_52 = vector.load %arg7[%swap3A, %swap3A_51] : memref<256x1024xf32, #tpu.memory_space<vmem>>, vector<256x1024xf32>
        tpu.vector_store %arg7[%swap3A, %swap3A_51], %add3A_50 {strides = array<i32>} : memref<256x1024xf32, #tpu.memory_space<vmem>>, vector<256x1024xf32>,
      } else {
      }
      %eq3A_41 = arith.constant 0 : i32
      %eq3A_42 = arith.cmpi eq, %get3A_10, %eq3A_41 : i32
      %convert_element_type3A_43 = arith.extui %eq3A_42 : i1 to i32
      %cond3A_44 = arith.constant 0 : i32
      %cond3A_45 = arith.cmpi ne, %convert_element_type3A_43, %cond3A_44 : i32
      scf.if %cond3A_45 {
        %get3A_46 = arith.constant 0 : index
        %get3A_47 = arith.constant 0 : index
        %get3A_48 = vector.load %arg7[%get3A_46, %get3A_47] : memref<256x1024xf32, #tpu.memory_space<vmem>>, vector<256x1024xf32>
        %add3A_49 = arith.addf %get3A_48, %select_n3A : vector<256x1024xf32>
        %swap3A = arith.constant 0 : index
        %swap3A_50 = arith.constant 0 : index
        %swap3A_51 = vector.load %arg7[%swap3A, %swap3A_50] : memref<256x1024xf32, #tpu.memory_space<vmem>>, vector<256x1024xf32>
        tpu.vector_store %arg7[%swap3A, %swap3A_50], %add3A_49 {strides = array<i32>} : memref<256x1024xf32, #tpu.memory_space<vmem>>, vector<256x1024xf32>,
      } else {
      }
    } else {
    }
    return
  }
  func.func @transform_0(%arg0: i32, %arg1: memref<5x23xi32, #tpu.memory_space<smem>>) -> (i32, i32) {
    %get3A = arith.constant 0 : index
    %get3A_0 = arith.index_cast %arg0 : i32 to index
    %get3A_1 = memref.load %arg1[%get3A, %get3A_0] : memref<5x23xi32, #tpu.memory_space<smem>>
    %c0_i32 = arith.constant 0 : i32
    %c0_i32_2 = arith.constant 0 : i32
    return %get3A_1, %c0_i32 : i32, i32
  }
  func.func @transform_1(%arg0: i32, %arg1: memref<5x23xi32, #tpu.memory_space<smem>>) -> (i32, i32) {
    %get3A = arith.constant 1 : index
    %get3A_0 = arith.index_cast %arg0 : i32 to index
    %get3A_1 = memref.load %arg1[%get3A, %get3A_0] : memref<5x23xi32, #tpu.memory_space<smem>>
    %c0_i32 = arith.constant 0 : i32
    %c0_i32_2 = arith.constant 0 : i32
    return %c0_i32, %get3A_1 : i32, i32
  }
  func.func @transform_2(%arg0: i32, %arg1: memref<5x23xi32, #tpu.memory_space<smem>>) -> (i32, i32) {
    %get3A = arith.constant 1 : index
    %get3A_0 = arith.index_cast %arg0 : i32 to index
    %get3A_1 = memref.load %arg1[%get3A, %get3A_0] : memref<5x23xi32, #tpu.memory_space<smem>>
    %c0_i32 = arith.constant 0 : i32
    %c0_i32_2 = arith.constant 0 : i32
    return %c0_i32, %get3A_1 : i32, i32
  }
  func.func @transform_3(%arg0: i32, %arg1: memref<5x23xi32, #tpu.memory_space<smem>>) -> (i32, i32) {
    %get3A = arith.constant 1 : index
    %get3A_0 = arith.index_cast %arg0 : i32 to index
    %get3A_1 = memref.load %arg1[%get3A, %get3A_0] : memref<5x23xi32, #tpu.memory_space<smem>>
    %c0_i32 = arith.constant 0 : i32
    %c0_i32_2 = arith.constant 0 : i32
    return %get3A_1, %c0_i32 : i32, i32
  }
  func.func @transform_4(%arg0: i32, %arg1: memref<5x23xi32, #tpu.memory_space<smem>>) -> (i32, i32) {
    %c0_i32 = arith.constant 0 : i32
    %c0_i32_0 = arith.constant 0 : i32
    %c0_i32_1 = arith.constant 0 : i32
    return %c0_i32, %c0_i32_0 : i32, i32
  }
  func.func @transform_5(%arg0: i32, %arg1: memref<5x23xi32, #tpu.memory_space<smem>>) -> (i32, i32) {
    %get3A = arith.constant 0 : index
    %get3A_0 = arith.index_cast %arg0 : i32 to index
    %get3A_1 = memref.load %arg1[%get3A, %get3A_0] : memref<5x23xi32, #tpu.memory_space<smem>>
    %c0_i32 = arith.constant 0 : i32
    %c0_i32_2 = arith.constant 0 : i32
    return %get3A_1, %c0_i32 : i32, i32
  }
}

</mosaic_0001>

<sc_bundles>
// kernel: kernel.10.cloned.1.call-start
scs
__scs_entry_jumppad:
0x0: {  	(pc) =	sbr.rel $0x88, $3  }
0x1: {  	(tag) =	ssettag $0x0;
	lr =	simm.s32 $0x1  }
0x2: {  	[smem:$0x3F9A] =	sst lr;
	_ =	strace $0xD0000000  }
0x3: {  	_ = 	snop  }
0x4: {  	_ = 	snop  }
0x5: {  	_ = 	snop  }
0x6: {  	_ = 	snop  }
0x7: {  	_ = 	snop  }
__scs_overlays_trampoline_lowered:
0x8: {  	[smem:$0x3FA9] =	sst s0  }
0x9: {  	[smem:$0x3FAA] =	sst s1  }
0xa: {  	[smem:$0x3FAB] =	sst s2  }
0xb: {  	[smem:$0x3FAC] =	sst s3  }
0xc: {  	[smem:$0x3FAD] =	sst s4  }
0xd: {  	[smem:$0x3FAE] =	sst s5  }
0xe: {  	[smem:$0x3FAF] =	sst s6  }
0xf: {  	[smem:$0x3FB0] =	sst s7  }
0x10: {  	[smem:$0x3FB1] =	sst s8  }
0x11: {  	[smem:$0x3FB2] =	sst s9;
	s0 =	simm.s32 @!p0 $0x0  }
0x12: {  	s1 =	sld [smem:$0x3F98];
	s0 =	simm.s32 @p0 $0x1  }
0x13: {  	[smem:$0x3FB3] =	sst s0;
	s0 =	simm.s32 @!p1 $0x0  }
0x14: {  	s2 =	sld [smem:$0x3F97];
	s0 =	simm.s32 @p1 $0x1  }
0x15: {  	[smem:$0x3FB4] =	sst s0;
	s0 =	simm.s32 @!p2 $0x0  }
0x16: {  	s3 =	sld [smem:$0x3FDB];
	s0 =	simm.s32 @p2 $0x1  }
0x17: {  	s4 =	simm.s32 $0x1BF5;
	[smem:$0x3FB6] =	sst s0  }
0x18: {  	s0 =	sld [smem:$0x3F99];
	_ =	swait.ge [sflag:s4], $0x0  }
0x19: {  	s7 =	sld [smem:$0x3F9A]  }
0x1a: {  	s8 =	sadd.s32 $0xFFFFE003, lr  }
0x1b: {  	s9 =	sadd.s32 $0xFFFFFEF7, lr;
	s5 =	simm.s32 $0xFFFFFFFF;
	p2 =	slt.u32 s8, $0xFFFFF086  }
0x1c: {  	p1 =	slt.u32 s9, $0xF7A;
	s5 =	simm.s32 @!p2 $0x0  }
0x1d: {  	s5 =	simm.s32 @p1 $0x1;
	p0 =	seq.s32 s7, s2  }
0x1e: {  	s7 =	smul.u32 @!p0 $0xF7A, s2;
	p2 =	seq.s32 @!p0 s5, $0x0  }
0x1f: {  	s9 =	smul.u32 $0xF7A, s1;
	s8 =	simm.s32 @!p0 $0x1BF5;
	p2 =	por !p2, p0  }
0x20: {  	[sflag:s8] =	ssyncset.s32 @!p0 $0xFFFFF086;
	s6 =	sadd.s32 @!p0 s3, s7;
	s7 =	simm.s32 @!p0 $0x108  }
0x21: {  	s3 =	sadd.s32 s3, s9;
	s6 =	sadd.s32 @!p0 $0x88, s6;
	s7 =	simm.s32 @p2 $0x1082  }
0x22: {  	[simem:s7], [sflag:s8] =	dma.local @!p0 [hbm:s6], $0xF7A  }
0x23: {  	s9 =	sor.u32 $0xD0000000, s2;
	s6 =	simm.s32 $0x108;
	_ =	swait.ge @!p0 [sflag:s8], $0x0  }
0x24: {  	s3 =	sadd.s32 $0x88, s3;
	s6 =	simm.s32 @!p1 $0x1082;
	[sflag:s4] =	ssyncset.s32 $0xFFFFF086  }
0x25: {  	[simem:s6], [sflag:s4] =	dma.local [hbm:s3], $0xF7A  }
0x26: {  	[smem:$0x3F9A] =	sst s1;
	(tag) =	ssettag s2;
	_ =	strace s9  }
0x27: {  	s1 =	sld [smem:$0x3FAA]  }
0x28: {  	s2 =	sld [smem:$0x3FAB]  }
0x29: {  	s4 =	sld [smem:$0x3FAD]  }
0x2a: {  	p0 =	seq.s32 s5, $0x0;
	s5 =	sld [smem:$0x3FAE]  }
0x2b: {  	s6 =	sld [smem:$0x3FAF]  }
0x2c: {  	s7 =	sld [smem:$0x3FB0]  }
0x2d: {  	s3 =	simm.s32 $0x108;
	s8 =	sld [smem:$0x3FB1]  }
0x2e: {  	s3 =	simm.s32 @!p0 $0x1082;
	s9 =	sld [smem:$0x3FB2]  }
0x2f: {  	lr =	sadd.s32 s0, s3;
	s0 =	sld [smem:$0x3FA9]  }
0x30: {  	s3 =	sld [smem:$0x3FAC]  }
0x31: {  	[smem:$0x3FB5] =	sst s10  }
0x32: {  	s10 =	sld [smem:$0x3FB3];
	_ =	sdelay $0x3  }
0x33: {  	p0 =	seq.s32 s10, $0x1;
	s10 =	sld [smem:$0x3FB5];
	_ =	sdelay $0x3  }
0x34: {  	[smem:$0x3FB5] =	sst s10  }
0x35: {  	s10 =	sld [smem:$0x3FB4];
	_ =	sdelay $0x3  }
0x36: {  	p1 =	seq.s32 s10, $0x1;
	s10 =	sld [smem:$0x3FB5];
	_ =	sdelay $0x3  }
0x37: {  	[smem:$0x3FB5] =	sst s10  }
0x38: {  	s10 =	sld [smem:$0x3FB6]  }
0x39: {  	_ = 	snop;
	(pc) =	sbr.ind lr, $3  }
0x3a: {  	_ = 	snop  }
0x3b: {  	_ = 	snop  }
0x3c: {  	p2 =	seq.s32 s10, $0x1;
	s10 =	sld [smem:$0x3FB5]  }
0x3d: {  	_ =	shalt  }
0x3e: {  	_ =	shalt  }
0x3f: {  	_ =	shalt  }
0x40: {  	_ =	shalt  }
0x41: {  	_ =	shalt  }
0x42: {  	_ =	shalt  }
0x43: {  	_ =	shalt  }
0x44: {  	_ =	shalt  }
0x45: {  	_ =	shalt  }
0x46: {  	_ =	shalt  }
0x47: {  	_ =	shalt  }
0x48: {  	_ =	shalt  }
0x49: {  	_ =	shalt  }
0x4a: {  	_ =	shalt  }
0x4b: {  	_ =	shalt  }
0x4c: {  	_ =	shalt  }
0x4d: {  	_ =	shalt  }
0x4e: {  	_ =	shalt  }
0x4f: {  	_ =	shalt  }
0x50: {  	_ =	shalt  }
0x51: {  	_ =	shalt  }
0x52: {  	_ =	shalt  }
0x53: {  	_ =	shalt  }
0x54: {  	_ =	shalt  }
0x55: {  	_ =	shalt  }
0x56: {  	_ =	shalt  }
0x57: {  	_ =	shalt  }
0x58: {  	_ =	shalt  }
0x59: {  	_ =	shalt  }
0x5a: {  	_ =	shalt  }
0x5b: {  	_ =	shalt  }
0x5c: {  	_ =	shalt  }
0x5d: {  	_ =	shalt  }
0x5e: {  	_ =	shalt  }
0x5f: {  	_ =	shalt  }
0x60: {  	_ =	shalt  }
0x61: {  	_ =	shalt  }
0x62: {  	_ =	shalt  }
0x63: {  	_ =	shalt  }
0x64: {  	_ =	shalt  }
0x65: {  	_ =	shalt  }
0x66: {  	_ =	shalt  }
0x67: {  	_ =	shalt  }
0x68: {  	_ =	shalt  }
0x69: {  	_ =	shalt  }
0x6a: {  	_ =	shalt  }
0x6b: {  	_ =	shalt  }
0x6c: {  	_ =	shalt  }
0x6d: {  	_ =	shalt  }
0x6e: {  	_ =	shalt  }
0x6f: {  	_ =	shalt  }
0x70: {  	_ =	shalt  }
0x71: {  	_ =	shalt  }
0x72: {  	_ =	shalt  }
0x73: {  	_ =	shalt  }
0x74: {  	_ =	shalt  }
0x75: {  	_ =	shalt  }
0x76: {  	_ =	shalt  }
0x77: {  	_ =	shalt  }
0x78: {  	_ =	shalt  }
0x79: {  	_ =	shalt  }
0x7a: {  	_ =	shalt  }
0x7b: {  	_ =	shalt  }
0x7c: {  	_ =	shalt  }
0x7d: {  	_ =	shalt  }
0x7e: {  	_ =	shalt  }
0x7f: {  	_ =	shalt  }
0x80: {  	_ =	shalt  }
0x81: {  	_ =	shalt  }
0x82: {  	_ =	shalt  }
0x83: {  	_ =	shalt  }
0x84: {  	_ =	shalt  }
0x85: {  	_ =	shalt  }
0x86: {  	_ =	shalt  }
0x87: {  	_ =	shalt  }
.Lfunc_end0:
.L_simem_size_0:
called_computation.1_lowered:
.L_overlay_start_0:
0x88: {  	s2 =	sld [smem:$0x3FD9]  }
0x89: {  	s3 =	sld [smem:$0x3FFE];
	_ =	sdelay $0x1  }
0x8a: {  	s1 =	srdreg.scid  }
0x8b: {  	s0 =	sand.u32 $0x1, s1  }
0x8c: {  	s14 =	sshll.u32 s0, $0xA;
	s2 =	sadd.s32 s3, s2  }
0x8d: {  	s2 =	sadd.s32 s2, s14  }
0x8e: {  	[smem:$0x3FC1] =	sst s2  }
0x8f: {  	_ = 	snop  }
0x90: {  	s2 =	sld [smem:$0x3FD0];
	_ =	sdelay $0x2  }
0x91: {  	s15 =	simm.s32 $0xA;
	s4 =	simm.s32 $0x10  }
0x92: {  	[smem:s4], [sflag:s15] =	dma.local [hbm:s2], $0x1  }
0x93: {  	_ =	swait.eq [sflag:s15], $0x1  }
0x94: {  	[sflag:s15] =	ssyncset.done $0x0  }
0x95: {  	[sflag:s15] =	ssyncadd.s32 $0xFFFFFFFF  }
0x96: {  	s16 =	sld [smem:$0x10];
	(tm) =	ssettm $0x1  }
0x97: {  	s17 =	sld [smem:$0x3FFB];
	_ =	sdelay $0x3  }
0x98: {  	_ =	strace s17  }
0x99: {  	s3 =	sld [smem:$0x3FFC];
	_ =	sdelay $0x3  }
0x9a: {  	_ =	strace s3  }
0x9b: {  	s3 =	sld [smem:$0x3FFD];
	_ =	sdelay $0x3  }
0x9c: {  	_ =	strace s3  }
0x9d: {  	_ =	strace $0x8FFFFFFF  }
0x9e: {  	s18 =	sld [smem:$0x3FDB];
	_ =	sdelay $0x1  }
0x9f: {  	s19 =	simm.s32 $_scs_section_size  }
0xa0: {  	s5 =	simm.s32 $_size__tile_overlayer_lowered;
	s6 =	simm.s32 $_tile_overlayer_lowered  }
0xa1: {  	s22 =	simm.s32 $0x1BFF;
	s21 =	sshll.u32 s6, $0x1;
	s3 =	sadd.s32 s19, s18  }
0xa2: {  	s7 =	simm.s32 $0x0;
	s20 =	sshll.u32 s5, $0x1;
	s5 =	sadd.s32 s21, s3  }
0xa3: {  	[timem:s7], [sflag:s22] =	dma.local [hbm:s5], s20  }
0xa4: {  	_ =	swait.ge [sflag:s22], s20  }
0xa5: {  	s4 =	ssub.s32 $0x0, s20;
	[sflag:s22] =	ssyncset.done $0x0  }
0xa6: {  	[sflag:s22] =	ssyncadd.s32 s4;
	_ =	sdelay $0x1  }
0xa7: {  	s23 =	simm.s32 $0x1B8B  }
0xa8: {  	_ =	swait.ge [sflag:s23], $0x1  }
0xa9: {  	[sflag:s23] =	ssyncset.done $0x0  }
0xaa: {  	s25 =	simm.s32 $0x1B8E;
	s24 =	sld [smem:$0x3FFE];
	[sflag:s23] =	ssyncadd.s32 $0xFFFFFFFF  }
0xab: {  	s26 =	simm.s32 $execute0_lowered;
	[smem:$0x3FD2] =	sst s25  }
0xac: {  	s5 =	sshll.u32 s26, $0x1;
	_ =	strace $0x80000049;
	[dreg:$0x1] =	wrdreg $0xFFFFFFFF  }
0xad: {  	s28 =	simm.s32 $_size_execute0_lowered;
	s3 =	sadd.s32 s3, s5;
	[dreg:$0x0] =	wrdreg $0x0  }
0xae: {  	s5 =	sshll.u32 s28, $0x1;
	[dreg:$0x2] =	wrdreg s3  }
0xaf: {  	[dreg:$0x3] =	wrdreg s5  }
0xb0: {  	[dreg:$0x4] =	wrdreg $0xC0  }
0xb1: {  	_ =	task [dreg:s7], $0x5FFFF  }
0xb2: {  	[dreg:$0x1] =	wrdreg $0xFFFFFFFF  }
0xb3: {  	[dreg:$0x0] =	wrdreg $0x60  }
0xb4: {  	[dreg:$0x2] =	wrdreg s24  }
0xb5: {  	[dreg:$0x3] =	wrdreg s16  }
0xb6: {  	[dreg:$0x4] =	wrdreg $0x9  }
0xb7: {  	_ =	task.clear_ibuf [dreg:s7], $0x5FFFF;
	_ =	strace $0x90000049  }
0xb8: {  	s29 =	simm.s32 $0x9;
	_ =	strace $0x8000004B  }
0xb9: {  	_ =	swait.ge [sflag:s29], $0x1  }
0xba: {  	[sflag:s29] =	ssyncadd.s32 $0xFFFFFFFF  }
0xbb: {  	_ =	strace $0x9000004B  }
0xbc: {  	_ =	sfence  }
0xbd: {  	s30 =	sld [smem:$0x0];
	_ =	sdelay $0x2  }
0xbe: {  	s31 =	sshll.u32 s1, $0xD;
	s1 =	sshrl.u32 s1, $0x2  }
0xbf: {  	s3 =	sand.u32 $0x4000, s31;
	s1 =	sadd.s32 s1, s30  }
0xc0: {  	s0 =	sor.u32 s3, s0;
	s1 =	sshll.u32 s1, $0x11  }
0xc1: {  	s0 =	sor.u32 s1, s0  }
0xc2: {  	s0 =	sadd.s32 $0x8F2B, s0  }
0xc3: {  	[sflag:s0] =	ssyncadd.remote.s32 $0x1  }
0xc4: {  	_ =	sfence.sel $0xFFFF  }
0xc5: {  	[dreg:$0x0] =	wrdreg $0xFFFFFFFF;
	(pc) =	sbr.abs _section_cstart, $3  }
0xc6: {  	[dreg:$0x1] =	wrdreg $0xFFFFFFFF  }
0xc7: {  	_ =	task.clear_ibuf [dreg:s7], $0x2FFFF;
	_ =	strace $0x9FFFFFFF  }
0xc8: {  	(tm) =	ssettm $0x7FFFFFFF  }
0xc9: {  	_ =	shalt  }
tec
execute0_lowered:
.L_overlay_start_1:
0x0: {  	(tag) =	ssettag $0x1  }
0x1: {  	s0 =	rddreg [dreg:$0x0]  }
0x2: {  	s4 =	rddreg [dreg:$0x1];
	s2 =	simm.s32 $0x0;
	s3 =	srdreg.scid  }
0x3: {  	s1 =	stileid.u32;
	s13 =	simm.s32 $0x3;
	s14 =	simm.s32 $0x400  }
0x4: {  	s15 =	simm.s32 $0xC00;
	s16 =	simm.s32 $0x1400;
	s17 =	simm.s32 $0x1C00  }
0x5: {  	s18 =	simm.s32 $0x2400;
	s19 =	simm.s32 $0x2C00;
	s20 =	simm.s32 $0x3400  }
0x6: {  	s21 =	simm.s32 $0x3C00;
	s22 =	simm.s32 $0x1;
	s28 =	simm.s32 $0x6400  }
0x7: {  	s29 =	simm.s32 $0x6C00;
	s30 =	simm.s32 $0x7400;
	s31 =	simm.s32 $0x7C00  }
0x8: {  	[smem:$0x7FF] =	sst s2;
	s5 =	sand.u32 $0x1, s3;
	s23 =	sshll.u32 s1, $0x1  }
0x9: {  	s3 =	sadd.s32 $0x1000, s0;
	_ =	strace $0x8000004A;
	s6 =	sor.u32 s5, s23  }
0xa: {  	s5 =	ssub.s32 $0x2, s5;
	s23 =	simm.s32 $0x4400;
	s7 =	sshll.u32 s6, $0x7  }
0xb: {  	s6 =	sshll.u32 s6, $0xE;
	s24 =	sshrl.u32 s5, $0x1;
	s7 =	sadd.s32 s0, s7  }
0xc: {  	s4 =	sadd.s32 s4, s6;
	s12 =	ssub.s32 s5, s24;
	s5 =	sadd.s32 $0x1100, s0  }
0xd: {  	s6 =	sadd.s32 $0x1200, s0;
	s24 =	simm.s32 $0x4C00;
	[dreg:$0x3] =	wrdreg s7  }
0xe: {  	s25 =	sadd.s32 $0x800, s4;
	s26 =	sadd.s32 $0x1000, s4;
	s8 =	sadd.s32 $0x1800, s4  }
0xf: {  	s7 =	sadd.s32 $0x1300, s0;
	s9 =	sadd.s32 $0x2800, s4;
	[dreg:$0x4] =	wrdreg s25  }
0x10: {  	v2 =	vlaneseq.u32;
	s10 =	sadd.s32 $0x3000, s4;
	s11 =	sadd.s32 $0x3800, s4;
	[dreg:$0x5] =	wrdreg s26  }
0x11: {  	vm0 =	vmmov $0xffff;
	v1 =	vshrl.u32 v2, $0x3;
	s12 =	smax.u32 s12, $0x1;
	s0 =	simm.s32 $0x2;
	[dreg:$0x6] =	wrdreg s8  }
0x12: {  	v0 =	vand.u32 $0x7, v2;
	v2 =	vor.u32 $0x8, v2;
	v1 =	vmul.u32 $0x8, v1;
	s8 =	sadd.s32 $0x2000, s4;
	s25 =	simm.s32 $0x5400;
	s26 =	simm.s32 $0x5C00  }
.LBB2_1:
0x13: {  	s1 =	rddreg [dreg:$0x3]  }
0x14: {  	[tilespmem:s2], [sflag:$0x3] =	stream.linear.gather [hbm4b:s1+s2], $0x400, $0x38;
	[tilespmem:$0x8400] =	vst v63  }
0x15: {  	_ =	swait.ge [sflag:s13], $0x400  }
0x16: {  	[sflag:s13] =	ssyncset.done $0x0  }
0x17: {  	[sflag:s13] =	ssyncadd.s32 $0xFFFFFC00  }
0x18: {  	v3 =	vld [tilespmem:$0x0];
	_ =	sdelay $0x4  }
0x19: {  	v4 =	vshll.u32 v3, $0x3  }
0x1a: {  	v3 =	vand.u32 $0x7, v3;
	v4 =	vand.u32 $0xFFFFFFC0, v4  }
0x1b: {  	v3 =	vor.u32 v3, v4  }
0x1c: {  	v4 =	vperm.xlane v3, v0;
	_ =	sdelay $0x1  }
0x1d: {  	v4 =	vadd.s32 v1, v4;
	_ =	sdelay $0x4  }
0x1e: {  	[tilespmem:s14], [sflag:$0x1] =	stream.indirect_vreg.gather [hbm4b:s3+s2], $0x80, v4, vm0, $0xb8;
	[tilespmem:$0x8400] =	vst v63  }
0x1f: {  	v3 =	vperm.xlane v3, v2  }
0x20: {  	[tilespmem:s15], [sflag:$0x1] =	stream.indirect_vreg.gather [hbm4b:s5+s2], $0x80, v4, vm0, $0xb8;
	[tilespmem:$0x8400] =	vst v63  }
0x21: {  	v3 =	vadd.s32 v1, v3  }
0x22: {  	[tilespmem:s16], [sflag:$0x1] =	stream.indirect_vreg.gather [hbm4b:s6+s2], $0x80, v4, vm0, $0xb8;
	[tilespmem:$0x8400] =	vst v63  }
0x23: {  	_ = 	snop  }
0x24: {  	[tilespmem:s17], [sflag:$0x1] =	stream.indirect_vreg.gather [hbm4b:s7+s2], $0x80, v4, vm0, $0xb8;
	[tilespmem:$0x8400] =	vst v63  }
0x25: {  	_ = 	snop  }
0x26: {  	[tilespmem:s18], [sflag:$0x1] =	stream.indirect_vreg.gather [hbm4b:s3+s2], $0x80, v3, vm0, $0xb8;
	[tilespmem:$0x8400] =	vst v63  }
0x27: {  	_ = 	snop  }
0x28: {  	[tilespmem:s19], [sflag:$0x1] =	stream.indirect_vreg.gather [hbm4b:s5+s2], $0x80, v3, vm0, $0xb8;
	[tilespmem:$0x8400] =	vst v63  }
0x29: {  	_ = 	snop  }
0x2a: {  	[tilespmem:s20], [sflag:$0x1] =	stream.indirect_vreg.gather [hbm4b:s6+s2], $0x80, v3, vm0, $0xb8;
	[tilespmem:$0x8400] =	vst v63  }
0x2b: {  	_ = 	snop  }
0x2c: {  	[tilespmem:s21], [sflag:$0x1] =	stream.indirect_vreg.gather [hbm4b:s7+s2], $0x80, v3, vm0, $0xb8;
	[tilespmem:$0x8400] =	vst v63  }
0x2d: {  	_ =	swait.ge [sflag:s22], $0x4000  }
0x2e: {  	[sflag:s22] =	ssyncset.done $0x0  }
0x2f: {  	[sflag:s22] =	ssyncadd.s32 $0xFFFFC000  }
0x30: {  	v3 =	vld [tilespmem:$0x80];
	_ =	sdelay $0x4  }
0x31: {  	v57 =	vshll.u32 v3, $0x3  }
0x32: {  	v3 =	vand.u32 $0x7, v3;
	v4 =	vand.u32 $0xFFFFFFC0, v57  }
0x33: {  	v3 =	vor.u32 v3, v4  }
0x34: {  	v4 =	vperm.xlane v3, v0;
	_ =	sdelay $0x1  }
0x35: {  	v4 =	vadd.s32 v1, v4;
	_ =	sdelay $0x4  }
0x36: {  	[tilespmem:s23], [sflag:$0x2] =	stream.indirect_vreg.gather [hbm4b:s3+s2], $0x80, v4, vm0, $0xb8;
	[tilespmem:$0x8400] =	vst v63  }
0x37: {  	v3 =	vperm.xlane v3, v2  }
0x38: {  	[tilespmem:s24], [sflag:$0x2] =	stream.indirect_vreg.gather [hbm4b:s5+s2], $0x80, v4, vm0, $0xb8;
	[tilespmem:$0x8400] =	vst v63  }
0x39: {  	v3 =	vadd.s32 v1, v3  }
0x3a: {  	[tilespmem:s25], [sflag:$0x2] =	stream.indirect_vreg.gather [hbm4b:s6+s2], $0x80, v4, vm0, $0xb8;
	[tilespmem:$0x8400] =	vst v63  }
0x3b: {  	_ = 	snop  }
0x3c: {  	[tilespmem:s26], [sflag:$0x2] =	stream.indirect_vreg.gather [hbm4b:s7+s2], $0x80, v4, vm0, $0xb8;
	[tilespmem:$0x8400] =	vst v63  }
0x3d: {  	_ = 	snop  }
0x3e: {  	[tilespmem:s28], [sflag:$0x2] =	stream.indirect_vreg.gather [hbm4b:s3+s2], $0x80, v3, vm0, $0xb8;
	[tilespmem:$0x8400] =	vst v63  }
0x3f: {  	_ = 	snop  }
0x40: {  	[tilespmem:s29], [sflag:$0x2] =	stream.indirect_vreg.gather [hbm4b:s5+s2], $0x80, v3, vm0, $0xb8;
	[tilespmem:$0x8400] =	vst v63  }
0x41: {  	_ = 	snop  }
0x42: {  	[tilespmem:s30], [sflag:$0x2] =	stream.indirect_vreg.gather [hbm4b:s6+s2], $0x80, v3, vm0, $0xb8;
	[tilespmem:$0x8400] =	vst v63  }
0x43: {  	_ = 	snop  }
0x44: {  	[tilespmem:s31], [sflag:$0x2] =	stream.indirect_vreg.gather [hbm4b:s7+s2], $0x80, v3, vm0, $0xb8;
	[tilespmem:$0x8400] =	vst v63  }
0x45: {  	_ = 	snop  }
0x46: {  	[hbm4b:s4+s2] =	stream.linear.scatter [tilespmem:s14], [sflag:$0x3], $0x4000, $0x38;
	[tilespmem:$0x8400] =	vst v63  }
0x47: {  	_ =	swait.ge [sflag:s13], $0x4000  }
0x48: {  	[sflag:s13] =	ssyncset.done $0x0  }
0x49: {  	[sflag:s13] =	ssyncadd.s32 $0xFFFFC000  }
0x4a: {  	_ =	swait.ge [sflag:s0], $0x4000  }
0x4b: {  	[sflag:s0] =	ssyncset.done $0x0  }
0x4c: {  	[sflag:s0] =	ssyncadd.s32 $0xFFFFC000  }
0x4d: {  	v3 =	vld [tilespmem:$0x100];
	_ =	sdelay $0x4  }
0x4e: {  	v58 =	vshll.u32 v3, $0x3  }
0x4f: {  	v3 =	vand.u32 $0x7, v3;
	v4 =	vand.u32 $0xFFFFFFC0, v58  }
0x50: {  	v3 =	vor.u32 v3, v4  }
0x51: {  	v4 =	vperm.xlane v3, v0;
	_ =	sdelay $0x1  }
0x52: {  	v4 =	vadd.s32 v1, v4;
	_ =	sdelay $0x4  }
0x53: {  	[tilespmem:s14], [sflag:$0x1] =	stream.indirect_vreg.gather [hbm4b:s3+s2], $0x80, v4, vm0, $0xb8;
	[tilespmem:$0x8400] =	vst v63  }
0x54: {  	v3 =	vperm.xlane v3, v2  }
0x55: {  	[tilespmem:s15], [sflag:$0x1] =	stream.indirect_vreg.gather [hbm4b:s5+s2], $0x80, v4, vm0, $0xb8;
	[tilespmem:$0x8400] =	vst v63  }
0x56: {  	v3 =	vadd.s32 v1, v3  }
0x57: {  	[tilespmem:s16], [sflag:$0x1] =	stream.indirect_vreg.gather [hbm4b:s6+s2], $0x80, v4, vm0, $0xb8;
	[tilespmem:$0x8400] =	vst v63  }
0x58: {  	_ = 	snop  }
0x59: {  	[tilespmem:s17], [sflag:$0x1] =	stream.indirect_vreg.gather [hbm4b:s7+s2], $0x80, v4, vm0, $0xb8;
	[tilespmem:$0x8400] =	vst v63  }
0x5a: {  	_ = 	snop  }
0x5b: {  	[tilespmem:s18], [sflag:$0x1] =	stream.indirect_vreg.gather [hbm4b:s3+s2], $0x80, v3, vm0, $0xb8;
	[tilespmem:$0x8400] =	vst v63  }
0x5c: {  	_ = 	snop  }
0x5d: {  	[tilespmem:s19], [sflag:$0x1] =	stream.indirect_vreg.gather [hbm4b:s5+s2], $0x80, v3, vm0, $0xb8;
	[tilespmem:$0x8400] =	vst v63  }
0x5e: {  	_ = 	snop  }
0x5f: {  	[tilespmem:s20], [sflag:$0x1] =	stream.indirect_vreg.gather [hbm4b:s6+s2], $0x80, v3, vm0, $0xb8;
	[tilespmem:$0x8400] =	vst v63  }
0x60: {  	_ = 	snop  }
0x61: {  	[tilespmem:s21], [sflag:$0x1] =	stream.indirect_vreg.gather [hbm4b:s7+s2], $0x80, v3, vm0, $0xb8;
	[tilespmem:$0x8400] =	vst v63  }
0x62: {  	s1 =	rddreg [dreg:$0x4]  }
0x63: {  	[hbm4b:s1+s2] =	stream.linear.scatter [tilespmem:s23], [sflag:$0x3], $0x4000, $0x38;
	[tilespmem:$0x8400] =	vst v63  }
0x64: {  	_ =	swait.ge [sflag:s13], $0x4000  }
0x65: {  	[sflag:s13] =	ssyncset.done $0x0  }
0x66: {  	[sflag:s13] =	ssyncadd.s32 $0xFFFFC000  }
0x67: {  	_ =	swait.ge [sflag:s22], $0x4000  }
0x68: {  	[sflag:s22] =	ssyncset.done $0x0  }
0x69: {  	[sflag:s22] =	ssyncadd.s32 $0xFFFFC000  }
0x6a: {  	v3 =	vld [tilespmem:$0x180];
	_ =	sdelay $0x4  }
0x6b: {  	v59 =	vshll.u32 v3, $0x3  }
0x6c: {  	v3 =	vand.u32 $0x7, v3;
	v4 =	vand.u32 $0xFFFFFFC0, v59  }
0x6d: {  	v3 =	vor.u32 v3, v4  }
0x6e: {  	v4 =	vperm.xlane v3, v0;
	_ =	sdelay $0x1  }
0x6f: {  	v4 =	vadd.s32 v1, v4;
	_ =	sdelay $0x4  }
0x70: {  	[tilespmem:s23], [sflag:$0x2] =	stream.indirect_vreg.gather [hbm4b:s3+s2], $0x80, v4, vm0, $0xb8;
	[tilespmem:$0x8400] =	vst v63  }
0x71: {  	v3 =	vperm.xlane v3, v2  }
0x72: {  	[tilespmem:s24], [sflag:$0x2] =	stream.indirect_vreg.gather [hbm4b:s5+s2], $0x80, v4, vm0, $0xb8;
	[tilespmem:$0x8400] =	vst v63  }
0x73: {  	v3 =	vadd.s32 v1, v3  }
0x74: {  	[tilespmem:s25], [sflag:$0x2] =	stream.indirect_vreg.gather [hbm4b:s6+s2], $0x80, v4, vm0, $0xb8;
	[tilespmem:$0x8400] =	vst v63  }
0x75: {  	_ = 	snop  }
0x76: {  	[tilespmem:s26], [sflag:$0x2] =	stream.indirect_vreg.gather [hbm4b:s7+s2], $0x80, v4, vm0, $0xb8;
	[tilespmem:$0x8400] =	vst v63  }
0x77: {  	_ = 	snop  }
0x78: {  	[tilespmem:s28], [sflag:$0x2] =	stream.indirect_vreg.gather [hbm4b:s3+s2], $0x80, v3, vm0, $0xb8;
	[tilespmem:$0x8400] =	vst v63  }
0x79: {  	_ = 	snop  }
0x7a: {  	[tilespmem:s29], [sflag:$0x2] =	stream.indirect_vreg.gather [hbm4b:s5+s2], $0x80, v3, vm0, $0xb8;
	[tilespmem:$0x8400] =	vst v63  }
0x7b: {  	_ = 	snop  }
0x7c: {  	[tilespmem:s30], [sflag:$0x2] =	stream.indirect_vreg.gather [hbm4b:s6+s2], $0x80, v3, vm0, $0xb8;
	[tilespmem:$0x8400] =	vst v63  }
0x7d: {  	_ = 	snop  }
0x7e: {  	[tilespmem:s31], [sflag:$0x2] =	stream.indirect_vreg.gather [hbm4b:s7+s2], $0x80, v3, vm0, $0xb8;
	[tilespmem:$0x8400] =	vst v63  }
0x7f: {  	s1 =	rddreg [dreg:$0x5]  }
0x80: {  	[hbm4b:s1+s2] =	stream.linear.scatter [tilespmem:s14], [sflag:$0x3], $0x4000, $0x38;
	[tilespmem:$0x8400] =	vst v63  }
0x81: {  	_ =	swait.ge [sflag:s13], $0x4000  }
0x82: {  	[sflag:s13] =	ssyncset.done $0x0  }
0x83: {  	[sflag:s13] =	ssyncadd.s32 $0xFFFFC000  }
0x84: {  	_ =	swait.ge [sflag:s0], $0x4000  }
0x85: {  	[sflag:s0] =	ssyncset.done $0x0  }
0x86: {  	[sflag:s0] =	ssyncadd.s32 $0xFFFFC000  }
0x87: {  	v3 =	vld [tilespmem:$0x200];
	_ =	sdelay $0x4  }
0x88: {  	v60 =	vshll.u32 v3, $0x3  }
0x89: {  	v3 =	vand.u32 $0x7, v3;
	v4 =	vand.u32 $0xFFFFFFC0, v60  }
0x8a: {  	v3 =	vor.u32 v3, v4  }
0x8b: {  	v4 =	vperm.xlane v3, v0;
	_ =	sdelay $0x1  }
0x8c: {  	v4 =	vadd.s32 v1, v4;
	_ =	sdelay $0x4  }
0x8d: {  	[tilespmem:s14], [sflag:$0x1] =	stream.indirect_vreg.gather [hbm4b:s3+s2], $0x80, v4, vm0, $0xb8;
	[tilespmem:$0x8400] =	vst v63  }
0x8e: {  	v3 =	vperm.xlane v3, v2  }
0x8f: {  	[tilespmem:s15], [sflag:$0x1] =	stream.indirect_vreg.gather [hbm4b:s5+s2], $0x80, v4, vm0, $0xb8;
	[tilespmem:$0x8400] =	vst v63  }
0x90: {  	v3 =	vadd.s32 v1, v3  }
0x91: {  	[tilespmem:s16], [sflag:$0x1] =	stream.indirect_vreg.gather [hbm4b:s6+s2], $0x80, v4, vm0, $0xb8;
	[tilespmem:$0x8400] =	vst v63  }
0x92: {  	_ = 	snop  }
0x93: {  	[tilespmem:s17], [sflag:$0x1] =	stream.indirect_vreg.gather [hbm4b:s7+s2], $0x80, v4, vm0, $0xb8;
	[tilespmem:$0x8400] =	vst v63  }
0x94: {  	_ = 	snop  }
0x95: {  	[tilespmem:s18], [sflag:$0x1] =	stream.indirect_vreg.gather [hbm4b:s3+s2], $0x80, v3, vm0, $0xb8;
	[tilespmem:$0x8400] =	vst v63  }
0x96: {  	_ = 	snop  }
0x97: {  	[tilespmem:s19], [sflag:$0x1] =	stream.indirect_vreg.gather [hbm4b:s5+s2], $0x80, v3, vm0, $0xb8;
	[tilespmem:$0x8400] =	vst v63  }
0x98: {  	_ = 	snop  }
0x99: {  	[tilespmem:s20], [sflag:$0x1] =	stream.indirect_vreg.gather [hbm4b:s6+s2], $0x80, v3, vm0, $0xb8;
	[tilespmem:$0x8400] =	vst v63  }
0x9a: {  	_ = 	snop  }
0x9b: {  	[tilespmem:s21], [sflag:$0x1] =	stream.indirect_vreg.gather [hbm4b:s7+s2], $0x80, v3, vm0, $0xb8;
	[tilespmem:$0x8400] =	vst v63  }
0x9c: {  	s1 =	rddreg [dreg:$0x6]  }
0x9d: {  	[hbm4b:s1+s2] =	stream.linear.scatter [tilespmem:s23], [sflag:$0x3], $0x4000, $0x38;
	[tilespmem:$0x8400] =	vst v63  }
0x9e: {  	_ =	swait.ge [sflag:s13], $0x4000  }
0x9f: {  	[sflag:s13] =	ssyncset.done $0x0  }
0xa0: {  	[sflag:s13] =	ssyncadd.s32 $0xFFFFC000  }
0xa1: {  	_ =	swait.ge [sflag:s22], $0x4000  }
0xa2: {  	[sflag:s22] =	ssyncset.done $0x0  }
0xa3: {  	[sflag:s22] =	ssyncadd.s32 $0xFFFFC000  }
0xa4: {  	v3 =	vld [tilespmem:$0x280];
	_ =	sdelay $0x4  }
0xa5: {  	v61 =	vshll.u32 v3, $0x3  }
0xa6: {  	v3 =	vand.u32 $0x7, v3;
	v4 =	vand.u32 $0xFFFFFFC0, v61  }
0xa7: {  	v3 =	vor.u32 v3, v4  }
0xa8: {  	v4 =	vperm.xlane v3, v0;
	_ =	sdelay $0x1  }
0xa9: {  	v4 =	vadd.s32 v1, v4;
	_ =	sdelay $0x4  }
0xaa: {  	[tilespmem:s23], [sflag:$0x2] =	stream.indirect_vreg.gather [hbm4b:s3+s2], $0x80, v4, vm0, $0xb8;
	[tilespmem:$0x8400] =	vst v63  }
0xab: {  	v3 =	vperm.xlane v3, v2  }
0xac: {  	[tilespmem:s24], [sflag:$0x2] =	stream.indirect_vreg.gather [hbm4b:s5+s2], $0x80, v4, vm0, $0xb8;
	[tilespmem:$0x8400] =	vst v63  }
0xad: {  	v3 =	vadd.s32 v1, v3  }
0xae: {  	[tilespmem:s25], [sflag:$0x2] =	stream.indirect_vreg.gather [hbm4b:s6+s2], $0x80, v4, vm0, $0xb8;
	[tilespmem:$0x8400] =	vst v63  }
0xaf: {  	_ = 	snop  }
0xb0: {  	[tilespmem:s26], [sflag:$0x2] =	stream.indirect_vreg.gather [hbm4b:s7+s2], $0x80, v4, vm0, $0xb8;
	[tilespmem:$0x8400] =	vst v63  }
0xb1: {  	_ = 	snop  }
0xb2: {  	[tilespmem:s28], [sflag:$0x2] =	stream.indirect_vreg.gather [hbm4b:s3+s2], $0x80, v3, vm0, $0xb8;
	[tilespmem:$0x8400] =	vst v63  }
0xb3: {  	_ = 	snop  }
0xb4: {  	[tilespmem:s29], [sflag:$0x2] =	stream.indirect_vreg.gather [hbm4b:s5+s2], $0x80, v3, vm0, $0xb8;
	[tilespmem:$0x8400] =	vst v63  }
0xb5: {  	_ = 	snop  }
0xb6: {  	[tilespmem:s30], [sflag:$0x2] =	stream.indirect_vreg.gather [hbm4b:s6+s2], $0x80, v3, vm0, $0xb8;
	[tilespmem:$0x8400] =	vst v63  }
0xb7: {  	_ = 	snop  }
0xb8: {  	[tilespmem:s31], [sflag:$0x2] =	stream.indirect_vreg.gather [hbm4b:s7+s2], $0x80, v3, vm0, $0xb8;
	[tilespmem:$0x8400] =	vst v63  }
0xb9: {  	_ = 	snop  }
0xba: {  	[hbm4b:s8+s2] =	stream.linear.scatter [tilespmem:s14], [sflag:$0x3], $0x4000, $0x38;
	[tilespmem:$0x8400] =	vst v63  }
0xbb: {  	_ =	swait.ge [sflag:s13], $0x4000  }
0xbc: {  	[sflag:s13] =	ssyncset.done $0x0  }
0xbd: {  	[sflag:s13] =	ssyncadd.s32 $0xFFFFC000  }
0xbe: {  	_ =	swait.ge [sflag:s0], $0x4000  }
0xbf: {  	[sflag:s0] =	ssyncset.done $0x0  }
0xc0: {  	[sflag:s0] =	ssyncadd.s32 $0xFFFFC000  }
0xc1: {  	v3 =	vld [tilespmem:$0x300];
	_ =	sdelay $0x4  }
0xc2: {  	v62 =	vshll.u32 v3, $0x3  }
0xc3: {  	v3 =	vand.u32 $0x7, v3;
	v4 =	vand.u32 $0xFFFFFFC0, v62  }
0xc4: {  	v3 =	vor.u32 v3, v4  }
0xc5: {  	v4 =	vperm.xlane v3, v0;
	_ =	sdelay $0x1  }
0xc6: {  	v4 =	vadd.s32 v1, v4;
	_ =	sdelay $0x4  }
0xc7: {  	[tilespmem:s14], [sflag:$0x1] =	stream.indirect_vreg.gather [hbm4b:s3+s2], $0x80, v4, vm0, $0xb8;
	[tilespmem:$0x8400] =	vst v63  }
0xc8: {  	v3 =	vperm.xlane v3, v2  }
0xc9: {  	[tilespmem:s15], [sflag:$0x1] =	stream.indirect_vreg.gather [hbm4b:s5+s2], $0x80, v4, vm0, $0xb8;
	[tilespmem:$0x8400] =	vst v63  }
0xca: {  	v3 =	vadd.s32 v1, v3  }
0xcb: {  	[tilespmem:s16], [sflag:$0x1] =	stream.indirect_vreg.gather [hbm4b:s6+s2], $0x80, v4, vm0, $0xb8;
	[tilespmem:$0x8400] =	vst v63  }
0xcc: {  	_ = 	snop  }
0xcd: {  	[tilespmem:s17], [sflag:$0x1] =	stream.indirect_vreg.gather [hbm4b:s7+s2], $0x80, v4, vm0, $0xb8;
	[tilespmem:$0x8400] =	vst v63  }
0xce: {  	_ = 	snop  }
0xcf: {  	[tilespmem:s18], [sflag:$0x1] =	stream.indirect_vreg.gather [hbm4b:s3+s2], $0x80, v3, vm0, $0xb8;
	[tilespmem:$0x8400] =	vst v63  }
0xd0: {  	_ = 	snop  }
0xd1: {  	[tilespmem:s19], [sflag:$0x1] =	stream.indirect_vreg.gather [hbm4b:s5+s2], $0x80, v3, vm0, $0xb8;
	[tilespmem:$0x8400] =	vst v63  }
0xd2: {  	_ = 	snop  }
0xd3: {  	[tilespmem:s20], [sflag:$0x1] =	stream.indirect_vreg.gather [hbm4b:s6+s2], $0x80, v3, vm0, $0xb8;
	[tilespmem:$0x8400] =	vst v63  }
0xd4: {  	_ = 	snop  }
0xd5: {  	[tilespmem:s21], [sflag:$0x1] =	stream.indirect_vreg.gather [hbm4b:s7+s2], $0x80, v3, vm0, $0xb8;
	[tilespmem:$0x8400] =	vst v63  }
0xd6: {  	_ = 	snop  }
0xd7: {  	[hbm4b:s9+s2] =	stream.linear.scatter [tilespmem:s23], [sflag:$0x3], $0x4000, $0x38;
	[tilespmem:$0x8400] =	vst v63  }
0xd8: {  	_ =	swait.ge [sflag:s13], $0x4000  }
0xd9: {  	[sflag:s13] =	ssyncset.done $0x0  }
0xda: {  	[sflag:s13] =	ssyncadd.s32 $0xFFFFC000  }
0xdb: {  	_ =	swait.ge [sflag:s22], $0x4000  }
0xdc: {  	[sflag:s22] =	ssyncset.done $0x0  }
0xdd: {  	[sflag:s22] =	ssyncadd.s32 $0xFFFFC000  }
0xde: {  	v3 =	vld [tilespmem:$0x380];
	_ =	sdelay $0x4  }
0xdf: {  	v63 =	vshll.u32 v3, $0x3  }
0xe0: {  	v3 =	vand.u32 $0x7, v3;
	v4 =	vand.u32 $0xFFFFFFC0, v63  }
0xe1: {  	v3 =	vor.u32 v3, v4  }
0xe2: {  	v4 =	vperm.xlane v3, v0;
	_ =	sdelay $0x1  }
0xe3: {  	v4 =	vadd.s32 v1, v4;
	_ =	sdelay $0x4  }
0xe4: {  	[tilespmem:s23], [sflag:$0x2] =	stream.indirect_vreg.gather [hbm4b:s3+s2], $0x80, v4, vm0, $0xb8;
	[tilespmem:$0x8400] =	vst v63  }
0xe5: {  	v3 =	vperm.xlane v3, v2  }
0xe6: {  	[tilespmem:s24], [sflag:$0x2] =	stream.indirect_vreg.gather [hbm4b:s5+s2], $0x80, v4, vm0, $0xb8;
	[tilespmem:$0x8400] =	vst v63  }
0xe7: {  	v3 =	vadd.s32 v1, v3  }
0xe8: {  	[tilespmem:s25], [sflag:$0x2] =	stream.indirect_vreg.gather [hbm4b:s6+s2], $0x80, v4, vm0, $0xb8;
	[tilespmem:$0x8400] =	vst v63  }
0xe9: {  	_ = 	snop  }
0xea: {  	[tilespmem:s26], [sflag:$0x2] =	stream.indirect_vreg.gather [hbm4b:s7+s2], $0x80, v4, vm0, $0xb8;
	[tilespmem:$0x8400] =	vst v63  }
0xeb: {  	_ = 	snop  }
0xec: {  	[tilespmem:s28], [sflag:$0x2] =	stream.indirect_vreg.gather [hbm4b:s3+s2], $0x80, v3, vm0, $0xb8;
	[tilespmem:$0x8400] =	vst v63  }
0xed: {  	_ = 	snop  }
0xee: {  	[tilespmem:s29], [sflag:$0x2] =	stream.indirect_vreg.gather [hbm4b:s5+s2], $0x80, v3, vm0, $0xb8;
	[tilespmem:$0x8400] =	vst v63  }
0xef: {  	_ = 	snop  }
0xf0: {  	[tilespmem:s30], [sflag:$0x2] =	stream.indirect_vreg.gather [hbm4b:s6+s2], $0x80, v3, vm0, $0xb8;
	[tilespmem:$0x8400] =	vst v63  }
0xf1: {  	_ = 	snop  }
0xf2: {  	[tilespmem:s31], [sflag:$0x2] =	stream.indirect_vreg.gather [hbm4b:s7+s2], $0x80, v3, vm0, $0xb8;
	[tilespmem:$0x8400] =	vst v63  }
0xf3: {  	_ = 	snop  }
0xf4: {  	[hbm4b:s10+s2] =	stream.linear.scatter [tilespmem:s14], [sflag:$0x3], $0x4000, $0x38;
	[tilespmem:$0x8400] =	vst v63  }
0xf5: {  	_ =	swait.ge [sflag:s13], $0x4000  }
0xf6: {  	[sflag:s13] =	ssyncset.done $0x0  }
0xf7: {  	[sflag:s13] =	ssyncadd.s32 $0xFFFFC000  }
0xf8: {  	_ =	swait.ge [sflag:s0], $0x4000  }
0xf9: {  	p0 =	sne.s32 s12, $0x1;
	[sflag:s0] =	ssyncset.done $0x0  }
.Ltmp0:
0xfa: {  	[sflag:s0] =	ssyncadd.s32 $0xFFFFC000;
	(pc) =	sbr.rel @p0 .LBB2_1-.Ltmp0, $4  }
0xfb: {  	[hbm4b:s11+s2] =	stream.linear.scatter [tilespmem:s23], [sflag:$0x3], $0x4000, $0x38;
	[tilespmem:$0x8400] =	vst v63  }
0xfc: {  	_ =	swait.ge [sflag:s13], $0x4000  }
0xfd: {  	[sflag:s13] =	ssyncset.done $0x0  }
0xfe: {  	s12 =	sadd.s32 $0xFFFFFFFF, s12;
	[sflag:s13] =	ssyncadd.s32 $0xFFFFC000  }
0xff: {  	_ =	sfence.sel $0x180000  }
0x100: {  	[bflag:$0x0] =	sbarrier.arrive $0xFFFF  }
0x101: {  	_ =	strace $0x9000004A  }
0x102: {  	s0 =	stileid.u32;
	[bflag:$0x2] =	sbarrier.arrive $0xFFFF  }
0x103: {  	p0 =	sne.s32 s0, $0x0;
	s0 =	rddreg [dreg:$0x2]  }
0x104: {  	s0 =	sadd.s32 @!p0 $0x100000, s0  }
0x105: {  	[sflag:s0] =	ssyncadd.tile.s32 @!p0 $0x1;
	_ =	shalt  }
.Lfunc_end2:
_tile_overlayer_lowered:
.L_overlay_start_2:
0x106: {  	(tag) =	ssettag $0x2  }
0x107: {  	s0 =	rddreg [dreg:$0x0];
	s2 =	stileid.u32  }
0x108: {  	s1 =	rddreg [dreg:$0x1];
	p0 =	sne.s32 s2, $0x0  }
0x109: {  	s3 =	rddreg [dreg:$0x2];
	[bflag:$0x3] =	sbarrier.arrive $0xFFFF;
	s2 =	simm.s32 @!p0 $0x1C03  }
0x10a: {  	[timem:s3], [sflag:s2] =	dma.local @!p0 [hbm:s0], s1  }
0x10b: {  	s0 =	simm.s32 @!p0 $0x3  }
0x10c: {  	_ =	swait.ge @!p0 [sflag:s0], s1  }
0x10d: {  	s1 =	ssub.s32 @!p0 $0x0, s1;
	[sflag:s0] =	ssyncset.done @!p0 $0x0  }
0x10e: {  	[sflag:s0] =	ssyncadd.s32 @!p0 s1  }
0x10f: {  	[bflag:$0x3] =	sbarrier.arrive $0xFFFF  }
0x110: {  	_ =	shalt  }

// kernel: kernel.7.cloned.1.call-start
scs
__scs_entry_jumppad:
0x0: {  	(pc) =	sbr.rel $0x88, $3  }
0x1: {  	(tag) =	ssettag $0x0;
	lr =	simm.s32 $0x1  }
0x2: {  	[smem:$0x3F9A] =	sst lr;
	_ =	strace $0xD0000000  }
0x3: {  	_ = 	snop  }
0x4: {  	_ = 	snop  }
0x5: {  	_ = 	snop  }
0x6: {  	_ = 	snop  }
0x7: {  	_ = 	snop  }
__scs_overlays_trampoline_lowered:
0x8: {  	[smem:$0x3FA9] =	sst s0  }
0x9: {  	[smem:$0x3FAA] =	sst s1  }
0xa: {  	[smem:$0x3FAB] =	sst s2  }
0xb: {  	[smem:$0x3FAC] =	sst s3  }
0xc: {  	[smem:$0x3FAD] =	sst s4  }
0xd: {  	[smem:$0x3FAE] =	sst s5  }
0xe: {  	[smem:$0x3FAF] =	sst s6  }
0xf: {  	[smem:$0x3FB0] =	sst s7  }
0x10: {  	[smem:$0x3FB1] =	sst s8  }
0x11: {  	[smem:$0x3FB2] =	sst s9;
	s0 =	simm.s32 @!p0 $0x0  }
0x12: {  	s1 =	sld [smem:$0x3F98];
	s0 =	simm.s32 @p0 $0x1  }
0x13: {  	[smem:$0x3FB3] =	sst s0;
	s0 =	simm.s32 @!p1 $0x0  }
0x14: {  	s2 =	sld [smem:$0x3F97];
	s0 =	simm.s32 @p1 $0x1  }
0x15: {  	[smem:$0x3FB4] =	sst s0;
	s0 =	simm.s32 @!p2 $0x0  }
0x16: {  	s3 =	sld [smem:$0x3FDB];
	s0 =	simm.s32 @p2 $0x1  }
0x17: {  	s4 =	simm.s32 $0x1BF5;
	[smem:$0x3FB6] =	sst s0  }
0x18: {  	s0 =	sld [smem:$0x3F99];
	_ =	swait.ge [sflag:s4], $0x0  }
0x19: {  	s7 =	sld [smem:$0x3F9A]  }
0x1a: {  	s8 =	sadd.s32 $0xFFFFE003, lr  }
0x1b: {  	s9 =	sadd.s32 $0xFFFFFEF7, lr;
	s5 =	simm.s32 $0xFFFFFFFF;
	p2 =	slt.u32 s8, $0xFFFFF086  }
0x1c: {  	p1 =	slt.u32 s9, $0xF7A;
	s5 =	simm.s32 @!p2 $0x0  }
0x1d: {  	s5 =	simm.s32 @p1 $0x1;
	p0 =	seq.s32 s7, s2  }
0x1e: {  	s7 =	smul.u32 @!p0 $0xF7A, s2;
	p2 =	seq.s32 @!p0 s5, $0x0  }
0x1f: {  	s9 =	smul.u32 $0xF7A, s1;
	s8 =	simm.s32 @!p0 $0x1BF5;
	p2 =	por !p2, p0  }
0x20: {  	[sflag:s8] =	ssyncset.s32 @!p0 $0xFFFFF086;
	s6 =	sadd.s32 @!p0 s3, s7;
	s7 =	simm.s32 @!p0 $0x108  }
0x21: {  	s3 =	sadd.s32 s3, s9;
	s6 =	sadd.s32 @!p0 $0x88, s6;
	s7 =	simm.s32 @p2 $0x1082  }
0x22: {  	[simem:s7], [sflag:s8] =	dma.local @!p0 [hbm:s6], $0xF7A  }
0x23: {  	s9 =	sor.u32 $0xD0000000, s2;
	s6 =	simm.s32 $0x108;
	_ =	swait.ge @!p0 [sflag:s8], $0x0  }
0x24: {  	s3 =	sadd.s32 $0x88, s3;
	s6 =	simm.s32 @!p1 $0x1082;
	[sflag:s4] =	ssyncset.s32 $0xFFFFF086  }
0x25: {  	[simem:s6], [sflag:s4] =	dma.local [hbm:s3], $0xF7A  }
0x26: {  	[smem:$0x3F9A] =	sst s1;
	(tag) =	ssettag s2;
	_ =	strace s9  }
0x27: {  	s1 =	sld [smem:$0x3FAA]  }
0x28: {  	s2 =	sld [smem:$0x3FAB]  }
0x29: {  	s4 =	sld [smem:$0x3FAD]  }
0x2a: {  	p0 =	seq.s32 s5, $0x0;
	s5 =	sld [smem:$0x3FAE]  }
0x2b: {  	s6 =	sld [smem:$0x3FAF]  }
0x2c: {  	s7 =	sld [smem:$0x3FB0]  }
0x2d: {  	s3 =	simm.s32 $0x108;
	s8 =	sld [smem:$0x3FB1]  }
0x2e: {  	s3 =	simm.s32 @!p0 $0x1082;
	s9 =	sld [smem:$0x3FB2]  }
0x2f: {  	lr =	sadd.s32 s0, s3;
	s0 =	sld [smem:$0x3FA9]  }
0x30: {  	s3 =	sld [smem:$0x3FAC]  }
0x31: {  	[smem:$0x3FB5] =	sst s10  }
0x32: {  	s10 =	sld [smem:$0x3FB3];
	_ =	sdelay $0x3  }
0x33: {  	p0 =	seq.s32 s10, $0x1;
	s10 =	sld [smem:$0x3FB5];
	_ =	sdelay $0x3  }
0x34: {  	[smem:$0x3FB5] =	sst s10  }
0x35: {  	s10 =	sld [smem:$0x3FB4];
	_ =	sdelay $0x3  }
0x36: {  	p1 =	seq.s32 s10, $0x1;
	s10 =	sld [smem:$0x3FB5];
	_ =	sdelay $0x3  }
0x37: {  	[smem:$0x3FB5] =	sst s10  }
0x38: {  	s10 =	sld [smem:$0x3FB6]  }
0x39: {  	_ = 	snop;
	(pc) =	sbr.ind lr, $3  }
0x3a: {  	_ = 	snop  }
0x3b: {  	_ = 	snop  }
0x3c: {  	p2 =	seq.s32 s10, $0x1;
	s10 =	sld [smem:$0x3FB5]  }
0x3d: {  	_ =	shalt  }
0x3e: {  	_ =	shalt  }
0x3f: {  	_ =	shalt  }
0x40: {  	_ =	shalt  }
0x41: {  	_ =	shalt  }
0x42: {  	_ =	shalt  }
0x43: {  	_ =	shalt  }
0x44: {  	_ =	shalt  }
0x45: {  	_ =	shalt  }
0x46: {  	_ =	shalt  }
0x47: {  	_ =	shalt  }
0x48: {  	_ =	shalt  }
0x49: {  	_ =	shalt  }
0x4a: {  	_ =	shalt  }
0x4b: {  	_ =	shalt  }
0x4c: {  	_ =	shalt  }
0x4d: {  	_ =	shalt  }
0x4e: {  	_ =	shalt  }
0x4f: {  	_ =	shalt  }
0x50: {  	_ =	shalt  }
0x51: {  	_ =	shalt  }
0x52: {  	_ =	shalt  }
0x53: {  	_ =	shalt  }
0x54: {  	_ =	shalt  }
0x55: {  	_ =	shalt  }
0x56: {  	_ =	shalt  }
0x57: {  	_ =	shalt  }
0x58: {  	_ =	shalt  }
0x59: {  	_ =	shalt  }
0x5a: {  	_ =	shalt  }
0x5b: {  	_ =	shalt  }
0x5c: {  	_ =	shalt  }
0x5d: {  	_ =	shalt  }
0x5e: {  	_ =	shalt  }
0x5f: {  	_ =	shalt  }
0x60: {  	_ =	shalt  }
0x61: {  	_ =	shalt  }
0x62: {  	_ =	shalt  }
0x63: {  	_ =	shalt  }
0x64: {  	_ =	shalt  }
0x65: {  	_ =	shalt  }
0x66: {  	_ =	shalt  }
0x67: {  	_ =	shalt  }
0x68: {  	_ =	shalt  }
0x69: {  	_ =	shalt  }
0x6a: {  	_ =	shalt  }
0x6b: {  	_ =	shalt  }
0x6c: {  	_ =	shalt  }
0x6d: {  	_ =	shalt  }
0x6e: {  	_ =	shalt  }
0x6f: {  	_ =	shalt  }
0x70: {  	_ =	shalt  }
0x71: {  	_ =	shalt  }
0x72: {  	_ =	shalt  }
0x73: {  	_ =	shalt  }
0x74: {  	_ =	shalt  }
0x75: {  	_ =	shalt  }
0x76: {  	_ =	shalt  }
0x77: {  	_ =	shalt  }
0x78: {  	_ =	shalt  }
0x79: {  	_ =	shalt  }
0x7a: {  	_ =	shalt  }
0x7b: {  	_ =	shalt  }
0x7c: {  	_ =	shalt  }
0x7d: {  	_ =	shalt  }
0x7e: {  	_ =	shalt  }
0x7f: {  	_ =	shalt  }
0x80: {  	_ =	shalt  }
0x81: {  	_ =	shalt  }
0x82: {  	_ =	shalt  }
0x83: {  	_ =	shalt  }
0x84: {  	_ =	shalt  }
0x85: {  	_ =	shalt  }
0x86: {  	_ =	shalt  }
0x87: {  	_ =	shalt  }
.Lfunc_end0:
.L_simem_size_0:
called_computation_lowered:
.L_overlay_start_0:
0x88: {  	s2 =	sld [smem:$0x3FD9]  }
0x89: {  	s3 =	sld [smem:$0x3FFE];
	_ =	sdelay $0x1  }
0x8a: {  	s1 =	srdreg.scid  }
0x8b: {  	s0 =	sand.u32 $0x1, s1  }
0x8c: {  	s14 =	sshll.u32 s0, $0xA;
	s2 =	sadd.s32 s3, s2  }
0x8d: {  	s2 =	sadd.s32 s2, s14  }
0x8e: {  	[smem:$0x3FC1] =	sst s2  }
0x8f: {  	_ = 	snop  }
0x90: {  	s2 =	sld [smem:$0x3FD0];
	_ =	sdelay $0x2  }
0x91: {  	s4 =	simm.s32 $0xA;
	s5 =	simm.s32 $0x10;
	s15 =	sld [smem:$0x3FC9]  }
0x92: {  	[smem:s5], [sflag:s4] =	dma.local [hbm:s2], $0x1  }
0x93: {  	_ =	swait.eq [sflag:s4], $0x1  }
0x94: {  	[sflag:s4] =	ssyncset.done $0x0  }
0x95: {  	[sflag:s4] =	ssyncadd.s32 $0xFFFFFFFF  }
0x96: {  	s16 =	sld [smem:$0x10];
	(tm) =	ssettm $0x1  }
0x97: {  	s17 =	sld [smem:$0x3FFB];
	_ =	sdelay $0x3  }
0x98: {  	_ =	strace s17  }
0x99: {  	s4 =	sld [smem:$0x3FFC];
	_ =	sdelay $0x3  }
0x9a: {  	_ =	strace s4  }
0x9b: {  	s4 =	sld [smem:$0x3FFD];
	_ =	sdelay $0x3  }
0x9c: {  	_ =	strace s4  }
0x9d: {  	_ =	strace $0x8FFFFFFF  }
0x9e: {  	s18 =	sld [smem:$0x3FDB];
	_ =	sdelay $0x1  }
0x9f: {  	s19 =	simm.s32 $_scs_section_size  }
0xa0: {  	s6 =	simm.s32 $_size__tile_overlayer_lowered;
	s7 =	simm.s32 $_tile_overlayer_lowered  }
0xa1: {  	s22 =	simm.s32 $0x1BFF;
	s21 =	sshll.u32 s7, $0x1;
	s4 =	sadd.s32 s19, s18  }
0xa2: {  	s8 =	simm.s32 $0x0;
	s20 =	sshll.u32 s6, $0x1;
	s6 =	sadd.s32 s21, s4  }
0xa3: {  	[timem:s8], [sflag:s22] =	dma.local [hbm:s6], s20  }
0xa4: {  	_ =	swait.ge [sflag:s22], s20  }
0xa5: {  	s5 =	ssub.s32 $0x0, s20;
	[sflag:s22] =	ssyncset.done $0x0  }
0xa6: {  	[sflag:s22] =	ssyncadd.s32 s5;
	_ =	sdelay $0x1  }
0xa7: {  	s23 =	simm.s32 $0x1B8B  }
0xa8: {  	_ =	swait.ge [sflag:s23], $0x1  }
0xa9: {  	[sflag:s23] =	ssyncset.done $0x0  }
0xaa: {  	s25 =	simm.s32 $0x1B8E;
	s24 =	sld [smem:$0x3FFE];
	[sflag:s23] =	ssyncadd.s32 $0xFFFFFFFF  }
0xab: {  	s26 =	simm.s32 $execute0_lowered;
	[smem:$0x3FD2] =	sst s25  }
0xac: {  	s6 =	sshll.u32 s26, $0x1;
	_ =	strace $0x80000046;
	[dreg:$0x1] =	wrdreg $0xFFFFFFFF  }
0xad: {  	s28 =	simm.s32 $_size_execute0_lowered;
	s4 =	sadd.s32 s4, s6;
	[dreg:$0x0] =	wrdreg $0x0  }
0xae: {  	s6 =	sshll.u32 s28, $0x1;
	[dreg:$0x2] =	wrdreg s4  }
0xaf: {  	[dreg:$0x3] =	wrdreg s6  }
0xb0: {  	[dreg:$0x4] =	wrdreg $0xC0  }
0xb1: {  	_ =	task [dreg:s8], $0x5FFFF  }
0xb2: {  	[dreg:$0x1] =	wrdreg $0xFFFFFFFF  }
0xb3: {  	[dreg:$0x0] =	wrdreg $0x60  }
0xb4: {  	[dreg:$0x2] =	wrdreg s24  }
0xb5: {  	[dreg:$0x3] =	wrdreg s15  }
0xb6: {  	[dreg:$0x4] =	wrdreg s16  }
0xb7: {  	[dreg:$0x5] =	wrdreg $0x9  }
0xb8: {  	_ =	task.clear_ibuf [dreg:s8], $0x6FFFF;
	_ =	strace $0x90000046  }
0xb9: {  	s29 =	simm.s32 $0x9;
	_ =	strace $0x80000048  }
0xba: {  	_ =	swait.ge [sflag:s29], $0x1  }
0xbb: {  	[sflag:s29] =	ssyncadd.s32 $0xFFFFFFFF  }
0xbc: {  	_ =	strace $0x90000048  }
0xbd: {  	_ =	sfence  }
0xbe: {  	s30 =	sld [smem:$0x0];
	_ =	sdelay $0x2  }
0xbf: {  	s31 =	sshll.u32 s1, $0xD;
	s1 =	sshrl.u32 s1, $0x2  }
0xc0: {  	s3 =	sand.u32 $0x4000, s31;
	s1 =	sadd.s32 s1, s30  }
0xc1: {  	s0 =	sor.u32 s3, s0;
	s1 =	sshll.u32 s1, $0x11  }
0xc2: {  	s0 =	sor.u32 s1, s0  }
0xc3: {  	s0 =	sadd.s32 $0x8F2B, s0  }
0xc4: {  	[sflag:s0] =	ssyncadd.remote.s32 $0x1  }
0xc5: {  	_ =	sfence.sel $0xFFFF  }
0xc6: {  	[dreg:$0x0] =	wrdreg $0xFFFFFFFF;
	(pc) =	sbr.abs _section_cstart, $3  }
0xc7: {  	[dreg:$0x1] =	wrdreg $0xFFFFFFFF  }
0xc8: {  	_ =	task.clear_ibuf [dreg:s8], $0x2FFFF;
	_ =	strace $0x9FFFFFFF  }
0xc9: {  	(tm) =	ssettm $0x7FFFFFFF  }
tec
execute0_lowered:
.L_overlay_start_1:
0x0: {  	(tag) =	ssettag $0x1  }
0x1: {  	s0 =	rddreg [dreg:$0x0]  }
0x2: {  	s4 =	rddreg [dreg:$0x1]  }
0x3: {  	s2 =	rddreg [dreg:$0x2];
	s5 =	srdreg.scid  }
0x4: {  	s1 =	stileid.u32;
	s3 =	simm.s32 $0x0;
	s13 =	simm.s32 $0x3  }
0x5: {  	s14 =	simm.s32 $0x400;
	s15 =	simm.s32 $0xC00;
	s16 =	simm.s32 $0x1400  }
0x6: {  	s17 =	simm.s32 $0x1C00;
	s18 =	simm.s32 $0x2400;
	s19 =	simm.s32 $0x2C00  }
0x7: {  	s20 =	simm.s32 $0x3400;
	s21 =	simm.s32 $0x3C00;
	s22 =	simm.s32 $0x4400  }
0x8: {  	s28 =	simm.s32 $0x6C00;
	s29 =	simm.s32 $0x7400;
	s30 =	simm.s32 $0x7C00  }
0x9: {  	s5 =	sand.u32 $0x1, s5;
	s6 =	sshll.u32 s1, $0x1;
	[smem:$0x7FF] =	sst s3  }
0xa: {  	s31 =	simm.s32 $0x1;
	s6 =	sor.u32 s5, s6;
	_ =	strace $0x80000047  }
0xb: {  	s5 =	ssub.s32 $0x2, s5;
	s7 =	sshll.u32 s6, $0x7;
	s6 =	sshll.u32 s6, $0xE  }
0xc: {  	s23 =	sshrl.u32 s5, $0x1;
	s0 =	sadd.s32 s0, s7;
	s4 =	sadd.s32 s4, s6  }
0xd: {  	s12 =	ssub.s32 s5, s23;
	s5 =	sadd.s32 $0x100, s2;
	s6 =	sadd.s32 $0x200, s2  }
0xe: {  	s7 =	sadd.s32 $0x300, s2;
	s23 =	simm.s32 $0x4C00;
	[dreg:$0x4] =	wrdreg s0  }
0xf: {  	s24 =	sadd.s32 $0x800, s4;
	s25 =	sadd.s32 $0x1000, s4;
	s26 =	sadd.s32 $0x1800, s4  }
0x10: {  	s8 =	sadd.s32 $0x2000, s4;
	s9 =	sadd.s32 $0x2800, s4;
	[dreg:$0x5] =	wrdreg s24  }
0x11: {  	v2 =	vlaneseq.u32;
	s10 =	sadd.s32 $0x3000, s4;
	s11 =	sadd.s32 $0x3800, s4;
	[dreg:$0x6] =	wrdreg s25  }
0x12: {  	vm0 =	vmmov $0xffff;
	v1 =	vshrl.u32 v2, $0x3;
	s12 =	smax.u32 s12, $0x1;
	s0 =	simm.s32 $0x2;
	[dreg:$0x7] =	wrdreg s26  }
0x13: {  	v0 =	vand.u32 $0x7, v2;
	v2 =	vor.u32 $0x8, v2;
	v1 =	vmul.u32 $0x8, v1;
	s24 =	simm.s32 $0x5400;
	s25 =	simm.s32 $0x5C00;
	s26 =	simm.s32 $0x6400  }
.LBB2_1:
0x14: {  	s1 =	rddreg [dreg:$0x4]  }
0x15: {  	[tilespmem:s3], [sflag:$0x3] =	stream.linear.gather [hbm4b:s1+s3], $0x400, $0x38;
	[tilespmem:$0x8400] =	vst v63  }
0x16: {  	_ =	swait.ge [sflag:s13], $0x400  }
0x17: {  	[sflag:s13] =	ssyncset.done $0x0  }
0x18: {  	[sflag:s13] =	ssyncadd.s32 $0xFFFFFC00  }
0x19: {  	[tilespmem:s14], [sflag:$0x3] =	stream.linear.gather [hbm4b:s4+s3], $0x4000, $0x38;
	[tilespmem:$0x8400] =	vst v63  }
0x1a: {  	_ =	swait.ge [sflag:s13], $0x4000  }
0x1b: {  	[sflag:s13] =	ssyncset.done $0x0  }
0x1c: {  	[sflag:s13] =	ssyncadd.s32 $0xFFFFC000  }
0x1d: {  	v3 =	vld [tilespmem:$0x0];
	_ =	sdelay $0x4  }
0x1e: {  	v4 =	vshll.u32 v3, $0x3  }
0x1f: {  	v3 =	vand.u32 $0x7, v3;
	v4 =	vand.u32 $0xFFFFFFC0, v4  }
0x20: {  	v3 =	vor.u32 v3, v4  }
0x21: {  	v4 =	vperm.xlane v3, v0;
	_ =	sdelay $0x1  }
0x22: {  	v4 =	vadd.s32 v1, v4;
	_ =	sdelay $0x4  }
0x23: {  	[hbm4b:s2+s3] =	stream.indirect_vreg.scatter [tilespmem:s14], [sflag:$0x1], $0x80, v4, vm0, $0xb8;
	[tilespmem:$0x8400] =	vst v63  }
0x24: {  	v3 =	vperm.xlane v3, v2  }
0x25: {  	[hbm4b:s5+s3] =	stream.indirect_vreg.scatter [tilespmem:s15], [sflag:$0x1], $0x80, v4, vm0, $0xb8;
	[tilespmem:$0x8400] =	vst v63  }
0x26: {  	v3 =	vadd.s32 v1, v3  }
0x27: {  	[hbm4b:s6+s3] =	stream.indirect_vreg.scatter [tilespmem:s16], [sflag:$0x1], $0x80, v4, vm0, $0xb8;
	[tilespmem:$0x8400] =	vst v63  }
0x28: {  	_ = 	snop  }
0x29: {  	[hbm4b:s7+s3] =	stream.indirect_vreg.scatter [tilespmem:s17], [sflag:$0x1], $0x80, v4, vm0, $0xb8;
	[tilespmem:$0x8400] =	vst v63  }
0x2a: {  	_ = 	snop  }
0x2b: {  	[hbm4b:s2+s3] =	stream.indirect_vreg.scatter [tilespmem:s18], [sflag:$0x1], $0x80, v3, vm0, $0xb8;
	[tilespmem:$0x8400] =	vst v63  }
0x2c: {  	_ = 	snop  }
0x2d: {  	[hbm4b:s5+s3] =	stream.indirect_vreg.scatter [tilespmem:s19], [sflag:$0x1], $0x80, v3, vm0, $0xb8;
	[tilespmem:$0x8400] =	vst v63  }
0x2e: {  	_ = 	snop  }
0x2f: {  	[hbm4b:s6+s3] =	stream.indirect_vreg.scatter [tilespmem:s20], [sflag:$0x1], $0x80, v3, vm0, $0xb8;
	[tilespmem:$0x8400] =	vst v63  }
0x30: {  	_ = 	snop  }
0x31: {  	[hbm4b:s7+s3] =	stream.indirect_vreg.scatter [tilespmem:s21], [sflag:$0x1], $0x80, v3, vm0, $0xb8;
	[tilespmem:$0x8400] =	vst v63  }
0x32: {  	s1 =	rddreg [dreg:$0x5]  }
0x33: {  	[tilespmem:s22], [sflag:$0x3] =	stream.linear.gather [hbm4b:s1+s3], $0x4000, $0x38;
	[tilespmem:$0x8400] =	vst v63  }
0x34: {  	_ =	swait.ge [sflag:s13], $0x4000  }
0x35: {  	[sflag:s13] =	ssyncset.done $0x0  }
0x36: {  	[sflag:s13] =	ssyncadd.s32 $0xFFFFC000  }
0x37: {  	v3 =	vld [tilespmem:$0x80];
	_ =	sdelay $0x4  }
0x38: {  	v57 =	vshll.u32 v3, $0x3  }
0x39: {  	v3 =	vand.u32 $0x7, v3;
	v4 =	vand.u32 $0xFFFFFFC0, v57  }
0x3a: {  	v3 =	vor.u32 v3, v4  }
0x3b: {  	v4 =	vperm.xlane v3, v0;
	_ =	sdelay $0x1  }
0x3c: {  	v4 =	vadd.s32 v1, v4;
	_ =	sdelay $0x4  }
0x3d: {  	[hbm4b:s2+s3] =	stream.indirect_vreg.scatter [tilespmem:s22], [sflag:$0x2], $0x80, v4, vm0, $0xb8;
	[tilespmem:$0x8400] =	vst v63  }
0x3e: {  	v3 =	vperm.xlane v3, v2  }
0x3f: {  	[hbm4b:s5+s3] =	stream.indirect_vreg.scatter [tilespmem:s23], [sflag:$0x2], $0x80, v4, vm0, $0xb8;
	[tilespmem:$0x8400] =	vst v63  }
0x40: {  	v3 =	vadd.s32 v1, v3  }
0x41: {  	[hbm4b:s6+s3] =	stream.indirect_vreg.scatter [tilespmem:s24], [sflag:$0x2], $0x80, v4, vm0, $0xb8;
	[tilespmem:$0x8400] =	vst v63  }
0x42: {  	_ = 	snop  }
0x43: {  	[hbm4b:s7+s3] =	stream.indirect_vreg.scatter [tilespmem:s25], [sflag:$0x2], $0x80, v4, vm0, $0xb8;
	[tilespmem:$0x8400] =	vst v63  }
0x44: {  	_ = 	snop  }
0x45: {  	[hbm4b:s2+s3] =	stream.indirect_vreg.scatter [tilespmem:s26], [sflag:$0x2], $0x80, v3, vm0, $0xb8;
	[tilespmem:$0x8400] =	vst v63  }
0x46: {  	_ = 	snop  }
0x47: {  	[hbm4b:s5+s3] =	stream.indirect_vreg.scatter [tilespmem:s28], [sflag:$0x2], $0x80, v3, vm0, $0xb8;
	[tilespmem:$0x8400] =	vst v63  }
0x48: {  	_ = 	snop  }
0x49: {  	[hbm4b:s6+s3] =	stream.indirect_vreg.scatter [tilespmem:s29], [sflag:$0x2], $0x80, v3, vm0, $0xb8;
	[tilespmem:$0x8400] =	vst v63  }
0x4a: {  	_ = 	snop  }
0x4b: {  	[hbm4b:s7+s3] =	stream.indirect_vreg.scatter [tilespmem:s30], [sflag:$0x2], $0x80, v3, vm0, $0xb8;
	[tilespmem:$0x8400] =	vst v63  }
0x4c: {  	_ =	swait.ge [sflag:s31], $0x4000  }
0x4d: {  	[sflag:s31] =	ssyncset.done $0x0  }
0x4e: {  	s1 =	rddreg [dreg:$0x6];
	[sflag:s31] =	ssyncadd.s32 $0xFFFFC000  }
0x4f: {  	[tilespmem:s14], [sflag:$0x3] =	stream.linear.gather [hbm4b:s1+s3], $0x4000, $0x38;
	[tilespmem:$0x8400] =	vst v63  }
0x50: {  	_ =	swait.ge [sflag:s13], $0x4000  }
0x51: {  	[sflag:s13] =	ssyncset.done $0x0  }
0x52: {  	[sflag:s13] =	ssyncadd.s32 $0xFFFFC000  }
0x53: {  	v3 =	vld [tilespmem:$0x100];
	_ =	sdelay $0x4  }
0x54: {  	v58 =	vshll.u32 v3, $0x3  }
0x55: {  	v3 =	vand.u32 $0x7, v3;
	v4 =	vand.u32 $0xFFFFFFC0, v58  }
0x56: {  	v3 =	vor.u32 v3, v4  }
0x57: {  	v4 =	vperm.xlane v3, v0;
	_ =	sdelay $0x1  }
0x58: {  	v4 =	vadd.s32 v1, v4;
	_ =	sdelay $0x4  }
0x59: {  	[hbm4b:s2+s3] =	stream.indirect_vreg.scatter [tilespmem:s14], [sflag:$0x1], $0x80, v4, vm0, $0xb8;
	[tilespmem:$0x8400] =	vst v63  }
0x5a: {  	v3 =	vperm.xlane v3, v2  }
0x5b: {  	[hbm4b:s5+s3] =	stream.indirect_vreg.scatter [tilespmem:s15], [sflag:$0x1], $0x80, v4, vm0, $0xb8;
	[tilespmem:$0x8400] =	vst v63  }
0x5c: {  	v3 =	vadd.s32 v1, v3  }
0x5d: {  	[hbm4b:s6+s3] =	stream.indirect_vreg.scatter [tilespmem:s16], [sflag:$0x1], $0x80, v4, vm0, $0xb8;
	[tilespmem:$0x8400] =	vst v63  }
0x5e: {  	_ = 	snop  }
0x5f: {  	[hbm4b:s7+s3] =	stream.indirect_vreg.scatter [tilespmem:s17], [sflag:$0x1], $0x80, v4, vm0, $0xb8;
	[tilespmem:$0x8400] =	vst v63  }
0x60: {  	_ = 	snop  }
0x61: {  	[hbm4b:s2+s3] =	stream.indirect_vreg.scatter [tilespmem:s18], [sflag:$0x1], $0x80, v3, vm0, $0xb8;
	[tilespmem:$0x8400] =	vst v63  }
0x62: {  	_ = 	snop  }
0x63: {  	[hbm4b:s5+s3] =	stream.indirect_vreg.scatter [tilespmem:s19], [sflag:$0x1], $0x80, v3, vm0, $0xb8;
	[tilespmem:$0x8400] =	vst v63  }
0x64: {  	_ = 	snop  }
0x65: {  	[hbm4b:s6+s3] =	stream.indirect_vreg.scatter [tilespmem:s20], [sflag:$0x1], $0x80, v3, vm0, $0xb8;
	[tilespmem:$0x8400] =	vst v63  }
0x66: {  	_ = 	snop  }
0x67: {  	[hbm4b:s7+s3] =	stream.indirect_vreg.scatter [tilespmem:s21], [sflag:$0x1], $0x80, v3, vm0, $0xb8;
	[tilespmem:$0x8400] =	vst v63  }
0x68: {  	_ =	swait.ge [sflag:s0], $0x4000  }
0x69: {  	[sflag:s0] =	ssyncset.done $0x0  }
0x6a: {  	s1 =	rddreg [dreg:$0x7];
	[sflag:s0] =	ssyncadd.s32 $0xFFFFC000  }
0x6b: {  	[tilespmem:s22], [sflag:$0x3] =	stream.linear.gather [hbm4b:s1+s3], $0x4000, $0x38;
	[tilespmem:$0x8400] =	vst v63  }
0x6c: {  	_ =	swait.ge [sflag:s13], $0x4000  }
0x6d: {  	[sflag:s13] =	ssyncset.done $0x0  }
0x6e: {  	[sflag:s13] =	ssyncadd.s32 $0xFFFFC000  }
0x6f: {  	v3 =	vld [tilespmem:$0x180];
	_ =	sdelay $0x4  }
0x70: {  	v59 =	vshll.u32 v3, $0x3  }
0x71: {  	v3 =	vand.u32 $0x7, v3;
	v4 =	vand.u32 $0xFFFFFFC0, v59  }
0x72: {  	v3 =	vor.u32 v3, v4  }
0x73: {  	v4 =	vperm.xlane v3, v0;
	_ =	sdelay $0x1  }
0x74: {  	v4 =	vadd.s32 v1, v4;
	_ =	sdelay $0x4  }
0x75: {  	[hbm4b:s2+s3] =	stream.indirect_vreg.scatter [tilespmem:s22], [sflag:$0x2], $0x80, v4, vm0, $0xb8;
	[tilespmem:$0x8400] =	vst v63  }
0x76: {  	v3 =	vperm.xlane v3, v2  }
0x77: {  	[hbm4b:s5+s3] =	stream.indirect_vreg.scatter [tilespmem:s23], [sflag:$0x2], $0x80, v4, vm0, $0xb8;
	[tilespmem:$0x8400] =	vst v63  }
0x78: {  	v3 =	vadd.s32 v1, v3  }
0x79: {  	[hbm4b:s6+s3] =	stream.indirect_vreg.scatter [tilespmem:s24], [sflag:$0x2], $0x80, v4, vm0, $0xb8;
	[tilespmem:$0x8400] =	vst v63  }
0x7a: {  	_ = 	snop  }
0x7b: {  	[hbm4b:s7+s3] =	stream.indirect_vreg.scatter [tilespmem:s25], [sflag:$0x2], $0x80, v4, vm0, $0xb8;
	[tilespmem:$0x8400] =	vst v63  }
0x7c: {  	_ = 	snop  }
0x7d: {  	[hbm4b:s2+s3] =	stream.indirect_vreg.scatter [tilespmem:s26], [sflag:$0x2], $0x80, v3, vm0, $0xb8;
	[tilespmem:$0x8400] =	vst v63  }
0x7e: {  	_ = 	snop  }
0x7f: {  	[hbm4b:s5+s3] =	stream.indirect_vreg.scatter [tilespmem:s28], [sflag:$0x2], $0x80, v3, vm0, $0xb8;
	[tilespmem:$0x8400] =	vst v63  }
0x80: {  	_ = 	snop  }
0x81: {  	[hbm4b:s6+s3] =	stream.indirect_vreg.scatter [tilespmem:s29], [sflag:$0x2], $0x80, v3, vm0, $0xb8;
	[tilespmem:$0x8400] =	vst v63  }
0x82: {  	_ = 	snop  }
0x83: {  	[hbm4b:s7+s3] =	stream.indirect_vreg.scatter [tilespmem:s30], [sflag:$0x2], $0x80, v3, vm0, $0xb8;
	[tilespmem:$0x8400] =	vst v63  }
0x84: {  	_ =	swait.ge [sflag:s31], $0x4000  }
0x85: {  	[sflag:s31] =	ssyncset.done $0x0  }
0x86: {  	[sflag:s31] =	ssyncadd.s32 $0xFFFFC000  }
0x87: {  	[tilespmem:s14], [sflag:$0x3] =	stream.linear.gather [hbm4b:s8+s3], $0x4000, $0x38;
	[tilespmem:$0x8400] =	vst v63  }
0x88: {  	_ =	swait.ge [sflag:s13], $0x4000  }
0x89: {  	[sflag:s13] =	ssyncset.done $0x0  }
0x8a: {  	[sflag:s13] =	ssyncadd.s32 $0xFFFFC000  }
0x8b: {  	v3 =	vld [tilespmem:$0x200];
	_ =	sdelay $0x4  }
0x8c: {  	v60 =	vshll.u32 v3, $0x3  }
0x8d: {  	v3 =	vand.u32 $0x7, v3;
	v4 =	vand.u32 $0xFFFFFFC0, v60  }
0x8e: {  	v3 =	vor.u32 v3, v4  }
0x8f: {  	v4 =	vperm.xlane v3, v0;
	_ =	sdelay $0x1  }
0x90: {  	v4 =	vadd.s32 v1, v4;
	_ =	sdelay $0x4  }
0x91: {  	[hbm4b:s2+s3] =	stream.indirect_vreg.scatter [tilespmem:s14], [sflag:$0x1], $0x80, v4, vm0, $0xb8;
	[tilespmem:$0x8400] =	vst v63  }
0x92: {  	v3 =	vperm.xlane v3, v2  }
0x93: {  	[hbm4b:s5+s3] =	stream.indirect_vreg.scatter [tilespmem:s15], [sflag:$0x1], $0x80, v4, vm0, $0xb8;
	[tilespmem:$0x8400] =	vst v63  }
0x94: {  	v3 =	vadd.s32 v1, v3  }
0x95: {  	[hbm4b:s6+s3] =	stream.indirect_vreg.scatter [tilespmem:s16], [sflag:$0x1], $0x80, v4, vm0, $0xb8;
	[tilespmem:$0x8400] =	vst v63  }
0x96: {  	_ = 	snop  }
0x97: {  	[hbm4b:s7+s3] =	stream.indirect_vreg.scatter [tilespmem:s17], [sflag:$0x1], $0x80, v4, vm0, $0xb8;
	[tilespmem:$0x8400] =	vst v63  }
0x98: {  	_ = 	snop  }
0x99: {  	[hbm4b:s2+s3] =	stream.indirect_vreg.scatter [tilespmem:s18], [sflag:$0x1], $0x80, v3, vm0, $0xb8;
	[tilespmem:$0x8400] =	vst v63  }
0x9a: {  	_ = 	snop  }
0x9b: {  	[hbm4b:s5+s3] =	stream.indirect_vreg.scatter [tilespmem:s19], [sflag:$0x1], $0x80, v3, vm0, $0xb8;
	[tilespmem:$0x8400] =	vst v63  }
0x9c: {  	_ = 	snop  }
0x9d: {  	[hbm4b:s6+s3] =	stream.indirect_vreg.scatter [tilespmem:s20], [sflag:$0x1], $0x80, v3, vm0, $0xb8;
	[tilespmem:$0x8400] =	vst v63  }
0x9e: {  	_ = 	snop  }
0x9f: {  	[hbm4b:s7+s3] =	stream.indirect_vreg.scatter [tilespmem:s21], [sflag:$0x1], $0x80, v3, vm0, $0xb8;
	[tilespmem:$0x8400] =	vst v63  }
0xa0: {  	_ =	swait.ge [sflag:s0], $0x4000  }
0xa1: {  	[sflag:s0] =	ssyncset.done $0x0  }
0xa2: {  	[sflag:s0] =	ssyncadd.s32 $0xFFFFC000  }
0xa3: {  	[tilespmem:s22], [sflag:$0x3] =	stream.linear.gather [hbm4b:s9+s3], $0x4000, $0x38;
	[tilespmem:$0x8400] =	vst v63  }
0xa4: {  	_ =	swait.ge [sflag:s13], $0x4000  }
0xa5: {  	[sflag:s13] =	ssyncset.done $0x0  }
0xa6: {  	[sflag:s13] =	ssyncadd.s32 $0xFFFFC000  }
0xa7: {  	v3 =	vld [tilespmem:$0x280];
	_ =	sdelay $0x4  }
0xa8: {  	v61 =	vshll.u32 v3, $0x3  }
0xa9: {  	v3 =	vand.u32 $0x7, v3;
	v4 =	vand.u32 $0xFFFFFFC0, v61  }
0xaa: {  	v3 =	vor.u32 v3, v4  }
0xab: {  	v4 =	vperm.xlane v3, v0;
	_ =	sdelay $0x1  }
0xac: {  	v4 =	vadd.s32 v1, v4;
	_ =	sdelay $0x4  }
0xad: {  	[hbm4b:s2+s3] =	stream.indirect_vreg.scatter [tilespmem:s22], [sflag:$0x2], $0x80, v4, vm0, $0xb8;
	[tilespmem:$0x8400] =	vst v63  }
0xae: {  	v3 =	vperm.xlane v3, v2  }
0xaf: {  	[hbm4b:s5+s3] =	stream.indirect_vreg.scatter [tilespmem:s23], [sflag:$0x2], $0x80, v4, vm0, $0xb8;
	[tilespmem:$0x8400] =	vst v63  }
0xb0: {  	v3 =	vadd.s32 v1, v3  }
0xb1: {  	[hbm4b:s6+s3] =	stream.indirect_vreg.scatter [tilespmem:s24], [sflag:$0x2], $0x80, v4, vm0, $0xb8;
	[tilespmem:$0x8400] =	vst v63  }
0xb2: {  	_ = 	snop  }
0xb3: {  	[hbm4b:s7+s3] =	stream.indirect_vreg.scatter [tilespmem:s25], [sflag:$0x2], $0x80, v4, vm0, $0xb8;
	[tilespmem:$0x8400] =	vst v63  }
0xb4: {  	_ = 	snop  }
0xb5: {  	[hbm4b:s2+s3] =	stream.indirect_vreg.scatter [tilespmem:s26], [sflag:$0x2], $0x80, v3, vm0, $0xb8;
	[tilespmem:$0x8400] =	vst v63  }
0xb6: {  	_ = 	snop  }
0xb7: {  	[hbm4b:s5+s3] =	stream.indirect_vreg.scatter [tilespmem:s28], [sflag:$0x2], $0x80, v3, vm0, $0xb8;
	[tilespmem:$0x8400] =	vst v63  }
0xb8: {  	_ = 	snop  }
0xb9: {  	[hbm4b:s6+s3] =	stream.indirect_vreg.scatter [tilespmem:s29], [sflag:$0x2], $0x80, v3, vm0, $0xb8;
	[tilespmem:$0x8400] =	vst v63  }
0xba: {  	_ = 	snop  }
0xbb: {  	[hbm4b:s7+s3] =	stream.indirect_vreg.scatter [tilespmem:s30], [sflag:$0x2], $0x80, v3, vm0, $0xb8;
	[tilespmem:$0x8400] =	vst v63  }
0xbc: {  	_ =	swait.ge [sflag:s31], $0x4000  }
0xbd: {  	[sflag:s31] =	ssyncset.done $0x0  }
0xbe: {  	[sflag:s31] =	ssyncadd.s32 $0xFFFFC000  }
0xbf: {  	[tilespmem:s14], [sflag:$0x3] =	stream.linear.gather [hbm4b:s10+s3], $0x4000, $0x38;
	[tilespmem:$0x8400] =	vst v63  }
0xc0: {  	_ =	swait.ge [sflag:s13], $0x4000  }
0xc1: {  	[sflag:s13] =	ssyncset.done $0x0  }
0xc2: {  	[sflag:s13] =	ssyncadd.s32 $0xFFFFC000  }
0xc3: {  	v3 =	vld [tilespmem:$0x300];
	_ =	sdelay $0x4  }
0xc4: {  	v62 =	vshll.u32 v3, $0x3  }
0xc5: {  	v3 =	vand.u32 $0x7, v3;
	v4 =	vand.u32 $0xFFFFFFC0, v62  }
0xc6: {  	v3 =	vor.u32 v3, v4  }
0xc7: {  	v4 =	vperm.xlane v3, v0;
	_ =	sdelay $0x1  }
0xc8: {  	v4 =	vadd.s32 v1, v4;
	_ =	sdelay $0x4  }
0xc9: {  	[hbm4b:s2+s3] =	stream.indirect_vreg.scatter [tilespmem:s14], [sflag:$0x1], $0x80, v4, vm0, $0xb8;
	[tilespmem:$0x8400] =	vst v63  }
0xca: {  	v3 =	vperm.xlane v3, v2  }
0xcb: {  	[hbm4b:s5+s3] =	stream.indirect_vreg.scatter [tilespmem:s15], [sflag:$0x1], $0x80, v4, vm0, $0xb8;
	[tilespmem:$0x8400] =	vst v63  }
0xcc: {  	v3 =	vadd.s32 v1, v3  }
0xcd: {  	[hbm4b:s6+s3] =	stream.indirect_vreg.scatter [tilespmem:s16], [sflag:$0x1], $0x80, v4, vm0, $0xb8;
	[tilespmem:$0x8400] =	vst v63  }
0xce: {  	_ = 	snop  }
0xcf: {  	[hbm4b:s7+s3] =	stream.indirect_vreg.scatter [tilespmem:s17], [sflag:$0x1], $0x80, v4, vm0, $0xb8;
	[tilespmem:$0x8400] =	vst v63  }
0xd0: {  	_ = 	snop  }
0xd1: {  	[hbm4b:s2+s3] =	stream.indirect_vreg.scatter [tilespmem:s18], [sflag:$0x1], $0x80, v3, vm0, $0xb8;
	[tilespmem:$0x8400] =	vst v63  }
0xd2: {  	_ = 	snop  }
0xd3: {  	[hbm4b:s5+s3] =	stream.indirect_vreg.scatter [tilespmem:s19], [sflag:$0x1], $0x80, v3, vm0, $0xb8;
	[tilespmem:$0x8400] =	vst v63  }
0xd4: {  	_ = 	snop  }
0xd5: {  	[hbm4b:s6+s3] =	stream.indirect_vreg.scatter [tilespmem:s20], [sflag:$0x1], $0x80, v3, vm0, $0xb8;
	[tilespmem:$0x8400] =	vst v63  }
0xd6: {  	_ = 	snop  }
0xd7: {  	[hbm4b:s7+s3] =	stream.indirect_vreg.scatter [tilespmem:s21], [sflag:$0x1], $0x80, v3, vm0, $0xb8;
	[tilespmem:$0x8400] =	vst v63  }
0xd8: {  	_ =	swait.ge [sflag:s0], $0x4000  }
0xd9: {  	[sflag:s0] =	ssyncset.done $0x0  }
0xda: {  	[sflag:s0] =	ssyncadd.s32 $0xFFFFC000  }
0xdb: {  	[tilespmem:s22], [sflag:$0x3] =	stream.linear.gather [hbm4b:s11+s3], $0x4000, $0x38;
	[tilespmem:$0x8400] =	vst v63  }
0xdc: {  	_ =	swait.ge [sflag:s13], $0x4000  }
0xdd: {  	[sflag:s13] =	ssyncset.done $0x0  }
0xde: {  	[sflag:s13] =	ssyncadd.s32 $0xFFFFC000  }
0xdf: {  	v3 =	vld [tilespmem:$0x380];
	_ =	sdelay $0x4  }
0xe0: {  	v63 =	vshll.u32 v3, $0x3  }
0xe1: {  	v3 =	vand.u32 $0x7, v3;
	v4 =	vand.u32 $0xFFFFFFC0, v63  }
0xe2: {  	v3 =	vor.u32 v3, v4  }
0xe3: {  	v4 =	vperm.xlane v3, v0;
	_ =	sdelay $0x1  }
0xe4: {  	v4 =	vadd.s32 v1, v4;
	_ =	sdelay $0x4  }
0xe5: {  	[hbm4b:s2+s3] =	stream.indirect_vreg.scatter [tilespmem:s22], [sflag:$0x2], $0x80, v4, vm0, $0xb8;
	[tilespmem:$0x8400] =	vst v63  }
0xe6: {  	v3 =	vperm.xlane v3, v2  }
0xe7: {  	[hbm4b:s5+s3] =	stream.indirect_vreg.scatter [tilespmem:s23], [sflag:$0x2], $0x80, v4, vm0, $0xb8;
	[tilespmem:$0x8400] =	vst v63  }
0xe8: {  	v3 =	vadd.s32 v1, v3  }
0xe9: {  	[hbm4b:s6+s3] =	stream.indirect_vreg.scatter [tilespmem:s24], [sflag:$0x2], $0x80, v4, vm0, $0xb8;
	[tilespmem:$0x8400] =	vst v63  }
0xea: {  	_ = 	snop  }
0xeb: {  	[hbm4b:s7+s3] =	stream.indirect_vreg.scatter [tilespmem:s25], [sflag:$0x2], $0x80, v4, vm0, $0xb8;
	[tilespmem:$0x8400] =	vst v63  }
0xec: {  	_ = 	snop  }
0xed: {  	[hbm4b:s2+s3] =	stream.indirect_vreg.scatter [tilespmem:s26], [sflag:$0x2], $0x80, v3, vm0, $0xb8;
	[tilespmem:$0x8400] =	vst v63  }
0xee: {  	_ = 	snop  }
0xef: {  	[hbm4b:s5+s3] =	stream.indirect_vreg.scatter [tilespmem:s28], [sflag:$0x2], $0x80, v3, vm0, $0xb8;
	[tilespmem:$0x8400] =	vst v63  }
0xf0: {  	_ = 	snop  }
0xf1: {  	[hbm4b:s6+s3] =	stream.indirect_vreg.scatter [tilespmem:s29], [sflag:$0x2], $0x80, v3, vm0, $0xb8;
	[tilespmem:$0x8400] =	vst v63  }
0xf2: {  	_ = 	snop  }
0xf3: {  	[hbm4b:s7+s3] =	stream.indirect_vreg.scatter [tilespmem:s30], [sflag:$0x2], $0x80, v3, vm0, $0xb8;
	[tilespmem:$0x8400] =	vst v63  }
0xf4: {  	p0 =	sne.s32 s12, $0x1;
	_ =	swait.ge [sflag:s31], $0x4000  }
.Ltmp0:
0xf5: {  	[sflag:s31] =	ssyncset.done $0x0;
	(pc) =	sbr.rel @p0 .LBB2_1-.Ltmp0, $4  }
0xf6: {  	[sflag:s31] =	ssyncadd.s32 $0xFFFFC000  }
0xf7: {  	_ =	swait.ge [sflag:s0], $0x4000  }
0xf8: {  	[sflag:s0] =	ssyncset.done $0x0  }
0xf9: {  	s12 =	sadd.s32 $0xFFFFFFFF, s12;
	[sflag:s0] =	ssyncadd.s32 $0xFFFFC000  }
0xfa: {  	_ =	sfence.sel $0x180000  }
0xfb: {  	[bflag:$0x0] =	sbarrier.arrive $0xFFFF  }
0xfc: {  	_ =	strace $0x90000047  }
0xfd: {  	s0 =	stileid.u32;
	[bflag:$0x2] =	sbarrier.arrive $0xFFFF  }
0xfe: {  	p0 =	sne.s32 s0, $0x0;
	s0 =	rddreg [dreg:$0x3]  }
0xff: {  	s0 =	sadd.s32 @!p0 $0x100000, s0  }
0x100: {  	[sflag:s0] =	ssyncadd.tile.s32 @!p0 $0x1;
	_ =	shalt  }
.Lfunc_end2:
_tile_overlayer_lowered:
.L_overlay_start_2:
0x101: {  	(tag) =	ssettag $0x2  }
0x102: {  	s0 =	rddreg [dreg:$0x0];
	s2 =	stileid.u32  }
0x103: {  	s1 =	rddreg [dreg:$0x1];
	p0 =	sne.s32 s2, $0x0  }
0x104: {  	s3 =	rddreg [dreg:$0x2];
	[bflag:$0x3] =	sbarrier.arrive $0xFFFF;
	s2 =	simm.s32 @!p0 $0x1C03  }
0x105: {  	[timem:s3], [sflag:s2] =	dma.local @!p0 [hbm:s0], s1  }
0x106: {  	s0 =	simm.s32 @!p0 $0x3  }
0x107: {  	_ =	swait.ge @!p0 [sflag:s0], s1  }
0x108: {  	s1 =	ssub.s32 @!p0 $0x0, s1;
	[sflag:s0] =	ssyncset.done @!p0 $0x0  }
0x109: {  	[sflag:s0] =	ssyncadd.s32 @!p0 s1  }
0x10a: {  	[bflag:$0x3] =	sbarrier.arrive $0xFFFF  }
0x10b: {  	_ =	shalt  }

</sc_bundles>
